<compile_context>
chip_gen: v7x
topology: tpu7x:2x2x1
jax: 0.10.2.dev20260603
libtpu: 0.0.44.dev20260713+nightly
codegen_flags: <defaults>
</compile_context>

<pallas_src>
import functools

import jax
import jax.numpy as jnp
from jax import lax
from jax.experimental import pallas as pl
from jax.experimental.pallas import tpu as pltpu
from jax.experimental.pallas import tpu_sc as plsc

_BATCH = 16384
_EMBED_DIM = 64
_ROWS = 1001

_info = plsc.get_sparse_core_info()
_NC, _NS, _L = _info.num_cores, _info.num_subcores, _info.num_lanes
_NW = _NC * _NS

_D_BLOCKS = _EMBED_DIM // 8
_B_SPLIT = _NW // _D_BLOCKS
_B_PER_W = _BATCH // _B_SPLIT
_JTILES = _B_PER_W // 128
_TBLK = 8 * _ROWS

_mesh = plsc.VectorSubcoreMesh(core_axis_name="c", subcore_axis_name="s")


@functools.partial(
    pl.kernel,
    mesh=_mesh,
    out_type=jax.ShapeDtypeStruct((_EMBED_DIM * _BATCH,), jnp.float32),
    scratch_types=[
        pltpu.VMEM((_B_PER_W,), jnp.int32),
        pltpu.VMEM((_TBLK,), jnp.float32),
        pltpu.VMEM((8 * _B_PER_W,), jnp.float32),
        pltpu.SemaphoreType.DMA,
    ],
    compiler_params=pltpu.CompilerParams(
        needs_layout_passes=False,
        allow_input_fusion=[False, True],
        disable_bounds_checks=True,
        disable_semaphore_checks=True,
    ),
)
def _gather_kernel(ids_hbm, ttab_hbm, out_hbm, idx_v, tbl_v, blk_v, osem):
    wid = lax.axis_index("s") * _NC + lax.axis_index("c")
    d_blk = wid // _B_SPLIT
    b_q = wid % _B_SPLIT
    in1 = pltpu.async_copy(
        ids_hbm.at[pl.ds(b_q * _B_PER_W, _B_PER_W)], idx_v, osem
    )
    in2 = pltpu.async_copy(
        ttab_hbm.at[pl.ds(d_blk * _TBLK, _TBLK)], tbl_v, osem
    )
    in1.wait()
    in2.wait()

    out_base = (d_blk * 128 + b_q * _JTILES) * 1024
    copies = []
    for c in range(2):
        @plsc.parallel_loop(c * 128, (c + 1) * 128, unroll=4)
        def body(jk):
            base = (jk // 8) * 1024 + (jk % 8) * _L
            ids16 = idx_v[pl.ds(jk * _L, _L)]
            for r in range(8):
                blk_v[pl.ds(base + r * 128, _L)] = (
                    plsc.load_gather(tbl_v, [ids16 + (r * _ROWS)])
                )

        copies.append(
            pltpu.async_copy(
                blk_v.at[pl.ds(c * 16384, 16384)],
                out_hbm.at[pl.ds(out_base + c * 16384, 16384)],
                osem,
            )
        )
    for cp in copies:
        cp.wait()


def kernel(ids, table):
    tt1d = jnp.reshape(table.T, (-1,))
    out1d = _gather_kernel(ids.astype(jnp.int32), tt1d)
    out4 = jnp.reshape(out1d, (8, 128, 8, 128))
    return jnp.reshape(jnp.transpose(out4, (1, 3, 0, 2)), (_BATCH, _EMBED_DIM))

# --- scband reference (transcript-rebuilt; emitter-appended) ---
"""Pipeline reference for scband-user-model-3513283248317 (READ-ONLY COPY).

The authoritative reference and input builder live on the scoring server;
editing this copy changes nothing except your own understanding.
"""

import jax, jax.numpy as jnp
import numpy as np

VOCAB = 1000      # len(unique_user_ids)
TABLE_ROWS = VOCAB + 1  # StringLookup reserves index 0 for OOV -> table has vocab+1 rows
EMBED_DIM = 64
BATCH = 16384

def setup_inputs(seed: int = 0):
    key = jax.random.key(seed)
    k1, k2 = jax.random.split(key)
    # ids are the integer indices produced by StringLookup (0 = OOV, 1..VOCAB = vocab entries)
    ids = jax.random.randint(k1, (BATCH,), 0, VOCAB)
    table = jax.random.normal(k2, (TABLE_ROWS, EMBED_DIM), dtype=jnp.float32) * 0.05
    return {"ids": ids, "table": table}

def reference(ids, table):
    # userModel.call: StringLookup (modeled as precomputed integer ids) followed by
    # an Embedding lookup, i.e. a row gather from the embedding table.
    return jnp.take(table, ids, axis=0)

if __name__ == "__main__":
    import jax
    _d = setup_inputs()
    print(jax.jit(kernel)(*tuple(_d.values())))

</pallas_src>

<mosaic_0001>
#map = affine_map<(d0, d1) -> (0)>
module attributes {stable_mosaic.version = 14 : i64} {
  func.func @_gather_kernel(%arg0: i32, %arg1: i32, %arg2: memref<16384xi32, #tpu.memory_space<hbm>>, %arg3: memref<64064xf32, #tpu.memory_space<hbm>>, %arg4: memref<1048576xf32, #tpu.memory_space<hbm>>, %arg5: memref<4096xi32, #tpu.memory_space<vmem>>, %arg6: memref<8008xf32, #tpu.memory_space<vmem>>, %arg7: memref<32768xf32, #tpu.memory_space<vmem>>, %arg8: memref<!tpu.dma_semaphore, #tpu.memory_space<semaphore_mem>>) attributes {dimension_semantics = [#tpu.dimension_semantics<core_parallel>, #tpu.dimension_semantics<subcore_parallel>], iteration_bounds = array<i64: 2, 16>, scalar_prefetch = 0 : i64, scratch_operands = 4 : i64, tpu.core_type = #tpu.core_type<sc_vector_subcore>, window_params = [{transform_indices = #map}, {transform_indices = #map}, {transform_indices = #map}]} {
    %mul3A = arith.constant 2 : i32
    %mul3A_0 = arith.muli %arg1, %mul3A : i32
    %add3A = arith.addi %mul3A_0, %arg0 : i32
    %jit3A = arith.constant 4 : i32
    %div3A = arith.divsi %add3A, %jit3A : i32
    %sign3A = arith.constant 0 : i32
    %sign3A_1 = arith.cmpi sgt, %add3A, %sign3A : i32
    %sign3A_2 = arith.extui %sign3A_1 : i1 to i32
    %sign3A_3 = arith.constant 0 : i32
    %sign3A_4 = arith.cmpi slt, %add3A, %sign3A_3 : i32
    %sign3A_5 = arith.extui %sign3A_4 : i1 to i32
    %sign3A_6 = arith.subi %sign3A_2, %sign3A_5 : i32
    %sign3A_7 = arith.constant 0 : i32
    %sign3A_8 = arith.cmpi sgt, %jit3A, %sign3A_7 : i32
    %sign3A_9 = arith.extui %sign3A_8 : i1 to i32
    %sign3A_10 = arith.constant 0 : i32
    %sign3A_11 = arith.cmpi slt, %jit3A, %sign3A_10 : i32
    %sign3A_12 = arith.extui %sign3A_11 : i1 to i32
    %sign3A_13 = arith.subi %sign3A_9, %sign3A_12 : i32
    %ne3A = arith.cmpi ne, %sign3A_6, %sign3A_13 : i32
    %rem3A = arith.remsi %add3A, %jit3A : i32
    %ne3A_14 = arith.constant 0 : i32
    %ne3A_15 = arith.cmpi ne, %rem3A, %ne3A_14 : i32
    %and3A = arith.andi %ne3A, %ne3A_15 : i1
    %sub3A = arith.constant 1 : i32
    %sub3A_16 = arith.subi %div3A, %sub3A : i32
    %select_n3A = arith.select %and3A, %sub3A_16, %div3A : i32
    %jit3A_17 = arith.constant 4 : i32
    %eq3A = arith.constant 0 : i32
    %eq3A_18 = arith.cmpi eq, %jit3A_17, %eq3A : i32
    %jit3A_19 = arith.constant 1 : i32
    %select_n3A_20 = arith.select %eq3A_18, %jit3A_19, %jit3A_17 : i32
    %rem3A_21 = arith.remsi %add3A, %select_n3A_20 : i32
    %ne3A_22 = arith.constant 0 : i32
    %ne3A_23 = arith.cmpi ne, %rem3A_21, %ne3A_22 : i32
    %lt3A = arith.constant 0 : i32
    %lt3A_24 = arith.cmpi slt, %rem3A_21, %lt3A : i32
    %lt3A_25 = arith.constant 0 : i32
    %lt3A_26 = arith.cmpi slt, %select_n3A_20, %lt3A_25 : i32
    %ne3A_27 = arith.xori %lt3A_24, %lt3A_26 : i1
    %and3A_28 = arith.andi %ne3A_27, %ne3A_23 : i1
    %add3A_29 = arith.addi %rem3A_21, %select_n3A_20 : i32
    %select_n3A_30 = arith.select %and3A_28, %add3A_29, %rem3A_21 : i32
    %mul3A_31 = arith.constant 4096 : i32
    %mul3A_32 = arith.muli %select_n3A_30, %mul3A_31 : i32
    %dma_start3A = tpu.memref_slice %arg2[%mul3A_32] : memref<16384xi32, #tpu.memory_space<hbm>> -> memref<4096xi32, #tpu.memory_space<hbm>>
    %dma_start3A_33 = tpu.memref_slice %arg2[%mul3A_32] : memref<16384xi32, #tpu.memory_space<hbm>> -> memref<4096xi32, #tpu.memory_space<hbm>>
    tpu.enqueue_dma source(%dma_start3A_33 : memref<4096xi32, #tpu.memory_space<hbm>>) target(%arg5 : memref<4096xi32, #tpu.memory_space<vmem>>) target_semaphore(%arg8 : memref<!tpu.dma_semaphore, #tpu.memory_space<semaphore_mem>>)
    %mul3A_34 = arith.constant 8008 : i32
    %mul3A_35 = arith.muli %select_n3A, %mul3A_34 : i32
    %dma_start3A_36 = tpu.memref_slice %arg3[%mul3A_35] : memref<64064xf32, #tpu.memory_space<hbm>> -> memref<8008xf32, #tpu.memory_space<hbm>>
    %dma_start3A_37 = tpu.memref_slice %arg3[%mul3A_35] : memref<64064xf32, #tpu.memory_space<hbm>> -> memref<8008xf32, #tpu.memory_space<hbm>>
    tpu.enqueue_dma source(%dma_start3A_37 : memref<8008xf32, #tpu.memory_space<hbm>>) target(%arg6 : memref<8008xf32, #tpu.memory_space<vmem>>) target_semaphore(%arg8 : memref<!tpu.dma_semaphore, #tpu.memory_space<semaphore_mem>>)
    %dma_wait3A = tpu.memref_slice %arg2[%mul3A_32] : memref<16384xi32, #tpu.memory_space<hbm>> -> memref<4096xi32, #tpu.memory_space<hbm>>
    %dma_wait3A_38 = tpu.memref_slice %arg2[%mul3A_32] : memref<16384xi32, #tpu.memory_space<hbm>> -> memref<4096xi32, #tpu.memory_space<hbm>>
    tpu.wait_dma2 semaphore(%arg8 : memref<!tpu.dma_semaphore, #tpu.memory_space<semaphore_mem>>) src(%dma_wait3A_38 : memref<4096xi32, #tpu.memory_space<hbm>>) dst(%arg5 : memref<4096xi32, #tpu.memory_space<vmem>>)
    %dma_wait3A_39 = tpu.memref_slice %arg3[%mul3A_35] : memref<64064xf32, #tpu.memory_space<hbm>> -> memref<8008xf32, #tpu.memory_space<hbm>>
    %dma_wait3A_40 = tpu.memref_slice %arg3[%mul3A_35] : memref<64064xf32, #tpu.memory_space<hbm>> -> memref<8008xf32, #tpu.memory_space<hbm>>
    tpu.wait_dma2 semaphore(%arg8 : memref<!tpu.dma_semaphore, #tpu.memory_space<semaphore_mem>>) src(%dma_wait3A_40 : memref<8008xf32, #tpu.memory_space<hbm>>) dst(%arg6 : memref<8008xf32, #tpu.memory_space<vmem>>)
    %mul3A_41 = arith.constant 128 : i32
    %mul3A_42 = arith.muli %select_n3A, %mul3A_41 : i32
    %mul3A_43 = arith.constant 32 : i32
    %mul3A_44 = arith.muli %select_n3A_30, %mul3A_43 : i32
    %add3A_45 = arith.addi %mul3A_42, %mul3A_44 : i32
    %mul3A_46 = arith.constant 1024 : i32
    %mul3A_47 = arith.muli %add3A_45, %mul3A_46 : i32
    %parallel_loop3A = arith.constant 0 : i32
    %parallel_loop3A_48 = arith.constant 128 : i32
    %parallel_loop3A_49 = arith.constant 1 : i32
    scf.for %parallel_loop3A_81 = %parallel_loop3A to %parallel_loop3A_48 step %parallel_loop3A_49  : i32 {
      %parallel_loop3A_82 = arith.constant 8 : i32
      %parallel_loop3A_83 = arith.divsi %parallel_loop3A_81, %parallel_loop3A_82 : i32
      %parallel_loop3A_84 = arith.constant 0 : i32
      %parallel_loop3A_85 = arith.cmpi sgt, %parallel_loop3A_81, %parallel_loop3A_84 : i32
      %parallel_loop3A_86 = arith.extui %parallel_loop3A_85 : i1 to i32
      %parallel_loop3A_87 = arith.constant 0 : i32
      %parallel_loop3A_88 = arith.cmpi slt, %parallel_loop3A_81, %parallel_loop3A_87 : i32
      %parallel_loop3A_89 = arith.extui %parallel_loop3A_88 : i1 to i32
      %parallel_loop3A_90 = arith.subi %parallel_loop3A_86, %parallel_loop3A_89 : i32
      %parallel_loop3A_91 = arith.constant 0 : i32
      %parallel_loop3A_92 = arith.cmpi sgt, %parallel_loop3A_82, %parallel_loop3A_91 : i32
      %parallel_loop3A_93 = arith.extui %parallel_loop3A_92 : i1 to i32
      %parallel_loop3A_94 = arith.constant 0 : i32
      %parallel_loop3A_95 = arith.cmpi slt, %parallel_loop3A_82, %parallel_loop3A_94 : i32
      %parallel_loop3A_96 = arith.extui %parallel_loop3A_95 : i1 to i32
      %parallel_loop3A_97 = arith.subi %parallel_loop3A_93, %parallel_loop3A_96 : i32
      %parallel_loop3A_98 = arith.cmpi ne, %parallel_loop3A_90, %parallel_loop3A_97 : i32
      %parallel_loop3A_99 = arith.remsi %parallel_loop3A_81, %parallel_loop3A_82 : i32
      %parallel_loop3A_100 = arith.constant 0 : i32
      %parallel_loop3A_101 = arith.cmpi ne, %parallel_loop3A_99, %parallel_loop3A_100 : i32
      %parallel_loop3A_102 = arith.andi %parallel_loop3A_98, %parallel_loop3A_101 : i1
      %parallel_loop3A_103 = arith.constant 1 : i32
      %parallel_loop3A_104 = arith.subi %parallel_loop3A_83, %parallel_loop3A_103 : i32
      %parallel_loop3A_105 = arith.select %parallel_loop3A_102, %parallel_loop3A_104, %parallel_loop3A_83 : i32
      %parallel_loop3A_106 = arith.constant 1024 : i32
      %parallel_loop3A_107 = arith.muli %parallel_loop3A_105, %parallel_loop3A_106 : i32
      %parallel_loop3A_108 = arith.constant 8 : i32
      %parallel_loop3A_109 = arith.constant 0 : i32
      %parallel_loop3A_110 = arith.cmpi eq, %parallel_loop3A_108, %parallel_loop3A_109 : i32
      %parallel_loop3A_111 = arith.constant 1 : i32
      %parallel_loop3A_112 = arith.select %parallel_loop3A_110, %parallel_loop3A_111, %parallel_loop3A_108 : i32
      %parallel_loop3A_113 = arith.remsi %parallel_loop3A_81, %parallel_loop3A_112 : i32
      %parallel_loop3A_114 = arith.constant 0 : i32
      %parallel_loop3A_115 = arith.cmpi ne, %parallel_loop3A_113, %parallel_loop3A_114 : i32
      %parallel_loop3A_116 = arith.constant 0 : i32
      %parallel_loop3A_117 = arith.cmpi slt, %parallel_loop3A_113, %parallel_loop3A_116 : i32
      %parallel_loop3A_118 = arith.constant 0 : i32
      %parallel_loop3A_119 = arith.cmpi slt, %parallel_loop3A_112, %parallel_loop3A_118 : i32
      %parallel_loop3A_120 = arith.xori %parallel_loop3A_117, %parallel_loop3A_119 : i1
      %parallel_loop3A_121 = arith.andi %parallel_loop3A_120, %parallel_loop3A_115 : i1
      %parallel_loop3A_122 = arith.addi %parallel_loop3A_113, %parallel_loop3A_112 : i32
      %parallel_loop3A_123 = arith.select %parallel_loop3A_121, %parallel_loop3A_122, %parallel_loop3A_113 : i32
      %parallel_loop3A_124 = arith.constant 16 : i32
      %parallel_loop3A_125 = arith.muli %parallel_loop3A_123, %parallel_loop3A_124 : i32
      %parallel_loop3A_126 = arith.addi %parallel_loop3A_107, %parallel_loop3A_125 : i32
      %parallel_loop3A_127 = arith.constant 16 : i32
      %parallel_loop3A_128 = arith.muli %parallel_loop3A_81, %parallel_loop3A_127 : i32
      %parallel_loop3A_129 = arith.index_cast %parallel_loop3A_128 : i32 to index
      %parallel_loop3A_130 = tpu.vector_load %arg5[%parallel_loop3A_129] {strides = array<i32>} : memref<4096xi32, #tpu.memory_space<vmem>>, vector<16xi32>,
      %parallel_loop3A_131 = arith.constant 0 : i32
      %parallel_loop3A_132 = vector.broadcast %parallel_loop3A_131 : i32 to vector<16xi32>
      %parallel_loop3A_133 = arith.addi %parallel_loop3A_130, %parallel_loop3A_132 : vector<16xi32>
      %parallel_loop3A_134 = tpu.vector_load_idx %arg6[%parallel_loop3A_133] : memref<8008xf32, #tpu.memory_space<vmem>>[vector<16xi32>], vector<16xf32>,
      %parallel_loop3A_135 = arith.constant 0 : i32
      %parallel_loop3A_136 = arith.addi %parallel_loop3A_126, %parallel_loop3A_135 : i32
      %parallel_loop3A_137 = arith.index_cast %parallel_loop3A_136 : i32 to index
      %parallel_loop3A_138 = tpu.vector_load %arg7[%parallel_loop3A_137] {strides = array<i32>} : memref<32768xf32, #tpu.memory_space<vmem>>, vector<16xf32>,
      tpu.vector_store %arg7[%parallel_loop3A_137], %parallel_loop3A_134 {strides = array<i32>} : memref<32768xf32, #tpu.memory_space<vmem>>, vector<16xf32>,
      %parallel_loop3A_139 = arith.constant 1001 : i32
      %parallel_loop3A_140 = vector.broadcast %parallel_loop3A_139 : i32 to vector<16xi32>
      %parallel_loop3A_141 = arith.addi %parallel_loop3A_130, %parallel_loop3A_140 : vector<16xi32>
      %parallel_loop3A_142 = tpu.vector_load_idx %arg6[%parallel_loop3A_141] : memref<8008xf32, #tpu.memory_space<vmem>>[vector<16xi32>], vector<16xf32>,
      %parallel_loop3A_143 = arith.constant 128 : i32
      %parallel_loop3A_144 = arith.addi %parallel_loop3A_126, %parallel_loop3A_143 : i32
      %parallel_loop3A_145 = arith.index_cast %parallel_loop3A_144 : i32 to index
      %parallel_loop3A_146 = tpu.vector_load %arg7[%parallel_loop3A_145] {strides = array<i32>} : memref<32768xf32, #tpu.memory_space<vmem>>, vector<16xf32>,
      tpu.vector_store %arg7[%parallel_loop3A_145], %parallel_loop3A_142 {strides = array<i32>} : memref<32768xf32, #tpu.memory_space<vmem>>, vector<16xf32>,
      %parallel_loop3A_147 = arith.constant 2002 : i32
      %parallel_loop3A_148 = vector.broadcast %parallel_loop3A_147 : i32 to vector<16xi32>
      %parallel_loop3A_149 = arith.addi %parallel_loop3A_130, %parallel_loop3A_148 : vector<16xi32>
      %parallel_loop3A_150 = tpu.vector_load_idx %arg6[%parallel_loop3A_149] : memref<8008xf32, #tpu.memory_space<vmem>>[vector<16xi32>], vector<16xf32>,
      %parallel_loop3A_151 = arith.constant 256 : i32
      %parallel_loop3A_152 = arith.addi %parallel_loop3A_126, %parallel_loop3A_151 : i32
      %parallel_loop3A_153 = arith.index_cast %parallel_loop3A_152 : i32 to index
      %parallel_loop3A_154 = tpu.vector_load %arg7[%parallel_loop3A_153] {strides = array<i32>} : memref<32768xf32, #tpu.memory_space<vmem>>, vector<16xf32>,
      tpu.vector_store %arg7[%parallel_loop3A_153], %parallel_loop3A_150 {strides = array<i32>} : memref<32768xf32, #tpu.memory_space<vmem>>, vector<16xf32>,
      %parallel_loop3A_155 = arith.constant 3003 : i32
      %parallel_loop3A_156 = vector.broadcast %parallel_loop3A_155 : i32 to vector<16xi32>
      %parallel_loop3A_157 = arith.addi %parallel_loop3A_130, %parallel_loop3A_156 : vector<16xi32>
      %parallel_loop3A_158 = tpu.vector_load_idx %arg6[%parallel_loop3A_157] : memref<8008xf32, #tpu.memory_space<vmem>>[vector<16xi32>], vector<16xf32>,
      %parallel_loop3A_159 = arith.constant 384 : i32
      %parallel_loop3A_160 = arith.addi %parallel_loop3A_126, %parallel_loop3A_159 : i32
      %parallel_loop3A_161 = arith.index_cast %parallel_loop3A_160 : i32 to index
      %parallel_loop3A_162 = tpu.vector_load %arg7[%parallel_loop3A_161] {strides = array<i32>} : memref<32768xf32, #tpu.memory_space<vmem>>, vector<16xf32>,
      tpu.vector_store %arg7[%parallel_loop3A_161], %parallel_loop3A_158 {strides = array<i32>} : memref<32768xf32, #tpu.memory_space<vmem>>, vector<16xf32>,
      %parallel_loop3A_163 = arith.constant 4004 : i32
      %parallel_loop3A_164 = vector.broadcast %parallel_loop3A_163 : i32 to vector<16xi32>
      %parallel_loop3A_165 = arith.addi %parallel_loop3A_130, %parallel_loop3A_164 : vector<16xi32>
      %parallel_loop3A_166 = tpu.vector_load_idx %arg6[%parallel_loop3A_165] : memref<8008xf32, #tpu.memory_space<vmem>>[vector<16xi32>], vector<16xf32>,
      %parallel_loop3A_167 = arith.constant 512 : i32
      %parallel_loop3A_168 = arith.addi %parallel_loop3A_126, %parallel_loop3A_167 : i32
      %parallel_loop3A_169 = arith.index_cast %parallel_loop3A_168 : i32 to index
      %parallel_loop3A_170 = tpu.vector_load %arg7[%parallel_loop3A_169] {strides = array<i32>} : memref<32768xf32, #tpu.memory_space<vmem>>, vector<16xf32>,
      tpu.vector_store %arg7[%parallel_loop3A_169], %parallel_loop3A_166 {strides = array<i32>} : memref<32768xf32, #tpu.memory_space<vmem>>, vector<16xf32>,
      %parallel_loop3A_171 = arith.constant 5005 : i32
      %parallel_loop3A_172 = vector.broadcast %parallel_loop3A_171 : i32 to vector<16xi32>
      %parallel_loop3A_173 = arith.addi %parallel_loop3A_130, %parallel_loop3A_172 : vector<16xi32>
      %parallel_loop3A_174 = tpu.vector_load_idx %arg6[%parallel_loop3A_173] : memref<8008xf32, #tpu.memory_space<vmem>>[vector<16xi32>], vector<16xf32>,
      %parallel_loop3A_175 = arith.constant 640 : i32
      %parallel_loop3A_176 = arith.addi %parallel_loop3A_126, %parallel_loop3A_175 : i32
      %parallel_loop3A_177 = arith.index_cast %parallel_loop3A_176 : i32 to index
      %parallel_loop3A_178 = tpu.vector_load %arg7[%parallel_loop3A_177] {strides = array<i32>} : memref<32768xf32, #tpu.memory_space<vmem>>, vector<16xf32>,
      tpu.vector_store %arg7[%parallel_loop3A_177], %parallel_loop3A_174 {strides = array<i32>} : memref<32768xf32, #tpu.memory_space<vmem>>, vector<16xf32>,
      %parallel_loop3A_179 = arith.constant 6006 : i32
      %parallel_loop3A_180 = vector.broadcast %parallel_loop3A_179 : i32 to vector<16xi32>
      %parallel_loop3A_181 = arith.addi %parallel_loop3A_130, %parallel_loop3A_180 : vector<16xi32>
      %parallel_loop3A_182 = tpu.vector_load_idx %arg6[%parallel_loop3A_181] : memref<8008xf32, #tpu.memory_space<vmem>>[vector<16xi32>], vector<16xf32>,
      %parallel_loop3A_183 = arith.constant 768 : i32
      %parallel_loop3A_184 = arith.addi %parallel_loop3A_126, %parallel_loop3A_183 : i32
      %parallel_loop3A_185 = arith.index_cast %parallel_loop3A_184 : i32 to index
      %parallel_loop3A_186 = tpu.vector_load %arg7[%parallel_loop3A_185] {strides = array<i32>} : memref<32768xf32, #tpu.memory_space<vmem>>, vector<16xf32>,
      tpu.vector_store %arg7[%parallel_loop3A_185], %parallel_loop3A_182 {strides = array<i32>} : memref<32768xf32, #tpu.memory_space<vmem>>, vector<16xf32>,
      %parallel_loop3A_187 = arith.constant 7007 : i32
      %parallel_loop3A_188 = vector.broadcast %parallel_loop3A_187 : i32 to vector<16xi32>
      %parallel_loop3A_189 = arith.addi %parallel_loop3A_130, %parallel_loop3A_188 : vector<16xi32>
      %parallel_loop3A_190 = tpu.vector_load_idx %arg6[%parallel_loop3A_189] : memref<8008xf32, #tpu.memory_space<vmem>>[vector<16xi32>], vector<16xf32>,
      %parallel_loop3A_191 = arith.constant 896 : i32
      %parallel_loop3A_192 = arith.addi %parallel_loop3A_126, %parallel_loop3A_191 : i32
      %parallel_loop3A_193 = arith.index_cast %parallel_loop3A_192 : i32 to index
      %parallel_loop3A_194 = tpu.vector_load %arg7[%parallel_loop3A_193] {strides = array<i32>} : memref<32768xf32, #tpu.memory_space<vmem>>, vector<16xf32>,
      tpu.vector_store %arg7[%parallel_loop3A_193], %parallel_loop3A_190 {strides = array<i32>} : memref<32768xf32, #tpu.memory_space<vmem>>, vector<16xf32>,
    } {sc.loop_unroll_factor = 4 : i64, sc.parallel_access}
    %add3A_50 = arith.constant 0 : i32
    %add3A_51 = arith.addi %mul3A_47, %add3A_50 : i32
    %dma_start3A_52 = arith.constant 0 : i32
    %dma_start3A_53 = tpu.memref_slice %arg7[%dma_start3A_52] : memref<32768xf32, #tpu.memory_space<vmem>> -> memref<16384xf32, #tpu.memory_space<vmem>>
    %dma_start3A_54 = tpu.memref_slice %arg4[%add3A_51] : memref<1048576xf32, #tpu.memory_space<hbm>> -> memref<16384xf32, #tpu.memory_space<hbm>>
    %dma_start3A_55 = tpu.memref_slice %arg4[%add3A_51] : memref<1048576xf32, #tpu.memory_space<hbm>> -> memref<16384xf32, #tpu.memory_space<hbm>>
    %dma_start3A_56 = arith.constant 0 : i32
    %dma_start3A_57 = tpu.memref_slice %arg7[%dma_start3A_56] : memref<32768xf32, #tpu.memory_space<vmem>> -> memref<16384xf32, #tpu.memory_space<vmem>>
    tpu.enqueue_dma source(%dma_start3A_57 : memref<16384xf32, #tpu.memory_space<vmem>>) target(%dma_start3A_55 : memref<16384xf32, #tpu.memory_space<hbm>>) target_semaphore(%arg8 : memref<!tpu.dma_semaphore, #tpu.memory_space<semaphore_mem>>)
    %parallel_loop3A_58 = arith.constant 128 : i32
    %parallel_loop3A_59 = arith.constant 256 : i32
    %parallel_loop3A_60 = arith.constant 1 : i32
    scf.for %parallel_loop3A_81 = %parallel_loop3A_58 to %parallel_loop3A_59 step %parallel_loop3A_60  : i32 {
      %parallel_loop3A_82 = arith.constant 8 : i32
      %parallel_loop3A_83 = arith.divsi %parallel_loop3A_81, %parallel_loop3A_82 : i32
      %parallel_loop3A_84 = arith.constant 0 : i32
      %parallel_loop3A_85 = arith.cmpi sgt, %parallel_loop3A_81, %parallel_loop3A_84 : i32
      %parallel_loop3A_86 = arith.extui %parallel_loop3A_85 : i1 to i32
      %parallel_loop3A_87 = arith.constant 0 : i32
      %parallel_loop3A_88 = arith.cmpi slt, %parallel_loop3A_81, %parallel_loop3A_87 : i32
      %parallel_loop3A_89 = arith.extui %parallel_loop3A_88 : i1 to i32
      %parallel_loop3A_90 = arith.subi %parallel_loop3A_86, %parallel_loop3A_89 : i32
      %parallel_loop3A_91 = arith.constant 0 : i32
      %parallel_loop3A_92 = arith.cmpi sgt, %parallel_loop3A_82, %parallel_loop3A_91 : i32
      %parallel_loop3A_93 = arith.extui %parallel_loop3A_92 : i1 to i32
      %parallel_loop3A_94 = arith.constant 0 : i32
      %parallel_loop3A_95 = arith.cmpi slt, %parallel_loop3A_82, %parallel_loop3A_94 : i32
      %parallel_loop3A_96 = arith.extui %parallel_loop3A_95 : i1 to i32
      %parallel_loop3A_97 = arith.subi %parallel_loop3A_93, %parallel_loop3A_96 : i32
      %parallel_loop3A_98 = arith.cmpi ne, %parallel_loop3A_90, %parallel_loop3A_97 : i32
      %parallel_loop3A_99 = arith.remsi %parallel_loop3A_81, %parallel_loop3A_82 : i32
      %parallel_loop3A_100 = arith.constant 0 : i32
      %parallel_loop3A_101 = arith.cmpi ne, %parallel_loop3A_99, %parallel_loop3A_100 : i32
      %parallel_loop3A_102 = arith.andi %parallel_loop3A_98, %parallel_loop3A_101 : i1
      %parallel_loop3A_103 = arith.constant 1 : i32
      %parallel_loop3A_104 = arith.subi %parallel_loop3A_83, %parallel_loop3A_103 : i32
      %parallel_loop3A_105 = arith.select %parallel_loop3A_102, %parallel_loop3A_104, %parallel_loop3A_83 : i32
      %parallel_loop3A_106 = arith.constant 1024 : i32
      %parallel_loop3A_107 = arith.muli %parallel_loop3A_105, %parallel_loop3A_106 : i32
      %parallel_loop3A_108 = arith.constant 8 : i32
      %parallel_loop3A_109 = arith.constant 0 : i32
      %parallel_loop3A_110 = arith.cmpi eq, %parallel_loop3A_108, %parallel_loop3A_109 : i32
      %parallel_loop3A_111 = arith.constant 1 : i32
      %parallel_loop3A_112 = arith.select %parallel_loop3A_110, %parallel_loop3A_111, %parallel_loop3A_108 : i32
      %parallel_loop3A_113 = arith.remsi %parallel_loop3A_81, %parallel_loop3A_112 : i32
      %parallel_loop3A_114 = arith.constant 0 : i32
      %parallel_loop3A_115 = arith.cmpi ne, %parallel_loop3A_113, %parallel_loop3A_114 : i32
      %parallel_loop3A_116 = arith.constant 0 : i32
      %parallel_loop3A_117 = arith.cmpi slt, %parallel_loop3A_113, %parallel_loop3A_116 : i32
      %parallel_loop3A_118 = arith.constant 0 : i32
      %parallel_loop3A_119 = arith.cmpi slt, %parallel_loop3A_112, %parallel_loop3A_118 : i32
      %parallel_loop3A_120 = arith.xori %parallel_loop3A_117, %parallel_loop3A_119 : i1
      %parallel_loop3A_121 = arith.andi %parallel_loop3A_120, %parallel_loop3A_115 : i1
      %parallel_loop3A_122 = arith.addi %parallel_loop3A_113, %parallel_loop3A_112 : i32
      %parallel_loop3A_123 = arith.select %parallel_loop3A_121, %parallel_loop3A_122, %parallel_loop3A_113 : i32
      %parallel_loop3A_124 = arith.constant 16 : i32
      %parallel_loop3A_125 = arith.muli %parallel_loop3A_123, %parallel_loop3A_124 : i32
      %parallel_loop3A_126 = arith.addi %parallel_loop3A_107, %parallel_loop3A_125 : i32
      %parallel_loop3A_127 = arith.constant 16 : i32
      %parallel_loop3A_128 = arith.muli %parallel_loop3A_81, %parallel_loop3A_127 : i32
      %parallel_loop3A_129 = arith.index_cast %parallel_loop3A_128 : i32 to index
      %parallel_loop3A_130 = tpu.vector_load %arg5[%parallel_loop3A_129] {strides = array<i32>} : memref<4096xi32, #tpu.memory_space<vmem>>, vector<16xi32>,
      %parallel_loop3A_131 = arith.constant 0 : i32
      %parallel_loop3A_132 = vector.broadcast %parallel_loop3A_131 : i32 to vector<16xi32>
      %parallel_loop3A_133 = arith.addi %parallel_loop3A_130, %parallel_loop3A_132 : vector<16xi32>
      %parallel_loop3A_134 = tpu.vector_load_idx %arg6[%parallel_loop3A_133] : memref<8008xf32, #tpu.memory_space<vmem>>[vector<16xi32>], vector<16xf32>,
      %parallel_loop3A_135 = arith.constant 0 : i32
      %parallel_loop3A_136 = arith.addi %parallel_loop3A_126, %parallel_loop3A_135 : i32
      %parallel_loop3A_137 = arith.index_cast %parallel_loop3A_136 : i32 to index
      %parallel_loop3A_138 = tpu.vector_load %arg7[%parallel_loop3A_137] {strides = array<i32>} : memref<32768xf32, #tpu.memory_space<vmem>>, vector<16xf32>,
      tpu.vector_store %arg7[%parallel_loop3A_137], %parallel_loop3A_134 {strides = array<i32>} : memref<32768xf32, #tpu.memory_space<vmem>>, vector<16xf32>,
      %parallel_loop3A_139 = arith.constant 1001 : i32
      %parallel_loop3A_140 = vector.broadcast %parallel_loop3A_139 : i32 to vector<16xi32>
      %parallel_loop3A_141 = arith.addi %parallel_loop3A_130, %parallel_loop3A_140 : vector<16xi32>
      %parallel_loop3A_142 = tpu.vector_load_idx %arg6[%parallel_loop3A_141] : memref<8008xf32, #tpu.memory_space<vmem>>[vector<16xi32>], vector<16xf32>,
      %parallel_loop3A_143 = arith.constant 128 : i32
      %parallel_loop3A_144 = arith.addi %parallel_loop3A_126, %parallel_loop3A_143 : i32
      %parallel_loop3A_145 = arith.index_cast %parallel_loop3A_144 : i32 to index
      %parallel_loop3A_146 = tpu.vector_load %arg7[%parallel_loop3A_145] {strides = array<i32>} : memref<32768xf32, #tpu.memory_space<vmem>>, vector<16xf32>,
      tpu.vector_store %arg7[%parallel_loop3A_145], %parallel_loop3A_142 {strides = array<i32>} : memref<32768xf32, #tpu.memory_space<vmem>>, vector<16xf32>,
      %parallel_loop3A_147 = arith.constant 2002 : i32
      %parallel_loop3A_148 = vector.broadcast %parallel_loop3A_147 : i32 to vector<16xi32>
      %parallel_loop3A_149 = arith.addi %parallel_loop3A_130, %parallel_loop3A_148 : vector<16xi32>
      %parallel_loop3A_150 = tpu.vector_load_idx %arg6[%parallel_loop3A_149] : memref<8008xf32, #tpu.memory_space<vmem>>[vector<16xi32>], vector<16xf32>,
      %parallel_loop3A_151 = arith.constant 256 : i32
      %parallel_loop3A_152 = arith.addi %parallel_loop3A_126, %parallel_loop3A_151 : i32
      %parallel_loop3A_153 = arith.index_cast %parallel_loop3A_152 : i32 to index
      %parallel_loop3A_154 = tpu.vector_load %arg7[%parallel_loop3A_153] {strides = array<i32>} : memref<32768xf32, #tpu.memory_space<vmem>>, vector<16xf32>,
      tpu.vector_store %arg7[%parallel_loop3A_153], %parallel_loop3A_150 {strides = array<i32>} : memref<32768xf32, #tpu.memory_space<vmem>>, vector<16xf32>,
      %parallel_loop3A_155 = arith.constant 3003 : i32
      %parallel_loop3A_156 = vector.broadcast %parallel_loop3A_155 : i32 to vector<16xi32>
      %parallel_loop3A_157 = arith.addi %parallel_loop3A_130, %parallel_loop3A_156 : vector<16xi32>
      %parallel_loop3A_158 = tpu.vector_load_idx %arg6[%parallel_loop3A_157] : memref<8008xf32, #tpu.memory_space<vmem>>[vector<16xi32>], vector<16xf32>,
      %parallel_loop3A_159 = arith.constant 384 : i32
      %parallel_loop3A_160 = arith.addi %parallel_loop3A_126, %parallel_loop3A_159 : i32
      %parallel_loop3A_161 = arith.index_cast %parallel_loop3A_160 : i32 to index
      %parallel_loop3A_162 = tpu.vector_load %arg7[%parallel_loop3A_161] {strides = array<i32>} : memref<32768xf32, #tpu.memory_space<vmem>>, vector<16xf32>,
      tpu.vector_store %arg7[%parallel_loop3A_161], %parallel_loop3A_158 {strides = array<i32>} : memref<32768xf32, #tpu.memory_space<vmem>>, vector<16xf32>,
      %parallel_loop3A_163 = arith.constant 4004 : i32
      %parallel_loop3A_164 = vector.broadcast %parallel_loop3A_163 : i32 to vector<16xi32>
      %parallel_loop3A_165 = arith.addi %parallel_loop3A_130, %parallel_loop3A_164 : vector<16xi32>
      %parallel_loop3A_166 = tpu.vector_load_idx %arg6[%parallel_loop3A_165] : memref<8008xf32, #tpu.memory_space<vmem>>[vector<16xi32>], vector<16xf32>,
      %parallel_loop3A_167 = arith.constant 512 : i32
      %parallel_loop3A_168 = arith.addi %parallel_loop3A_126, %parallel_loop3A_167 : i32
      %parallel_loop3A_169 = arith.index_cast %parallel_loop3A_168 : i32 to index
      %parallel_loop3A_170 = tpu.vector_load %arg7[%parallel_loop3A_169] {strides = array<i32>} : memref<32768xf32, #tpu.memory_space<vmem>>, vector<16xf32>,
      tpu.vector_store %arg7[%parallel_loop3A_169], %parallel_loop3A_166 {strides = array<i32>} : memref<32768xf32, #tpu.memory_space<vmem>>, vector<16xf32>,
      %parallel_loop3A_171 = arith.constant 5005 : i32
      %parallel_loop3A_172 = vector.broadcast %parallel_loop3A_171 : i32 to vector<16xi32>
      %parallel_loop3A_173 = arith.addi %parallel_loop3A_130, %parallel_loop3A_172 : vector<16xi32>
      %parallel_loop3A_174 = tpu.vector_load_idx %arg6[%parallel_loop3A_173] : memref<8008xf32, #tpu.memory_space<vmem>>[vector<16xi32>], vector<16xf32>,
      %parallel_loop3A_175 = arith.constant 640 : i32
      %parallel_loop3A_176 = arith.addi %parallel_loop3A_126, %parallel_loop3A_175 : i32
      %parallel_loop3A_177 = arith.index_cast %parallel_loop3A_176 : i32 to index
      %parallel_loop3A_178 = tpu.vector_load %arg7[%parallel_loop3A_177] {strides = array<i32>} : memref<32768xf32, #tpu.memory_space<vmem>>, vector<16xf32>,
      tpu.vector_store %arg7[%parallel_loop3A_177], %parallel_loop3A_174 {strides = array<i32>} : memref<32768xf32, #tpu.memory_space<vmem>>, vector<16xf32>,
      %parallel_loop3A_179 = arith.constant 6006 : i32
      %parallel_loop3A_180 = vector.broadcast %parallel_loop3A_179 : i32 to vector<16xi32>
      %parallel_loop3A_181 = arith.addi %parallel_loop3A_130, %parallel_loop3A_180 : vector<16xi32>
      %parallel_loop3A_182 = tpu.vector_load_idx %arg6[%parallel_loop3A_181] : memref<8008xf32, #tpu.memory_space<vmem>>[vector<16xi32>], vector<16xf32>,
      %parallel_loop3A_183 = arith.constant 768 : i32
      %parallel_loop3A_184 = arith.addi %parallel_loop3A_126, %parallel_loop3A_183 : i32
      %parallel_loop3A_185 = arith.index_cast %parallel_loop3A_184 : i32 to index
      %parallel_loop3A_186 = tpu.vector_load %arg7[%parallel_loop3A_185] {strides = array<i32>} : memref<32768xf32, #tpu.memory_space<vmem>>, vector<16xf32>,
      tpu.vector_store %arg7[%parallel_loop3A_185], %parallel_loop3A_182 {strides = array<i32>} : memref<32768xf32, #tpu.memory_space<vmem>>, vector<16xf32>,
      %parallel_loop3A_187 = arith.constant 7007 : i32
      %parallel_loop3A_188 = vector.broadcast %parallel_loop3A_187 : i32 to vector<16xi32>
      %parallel_loop3A_189 = arith.addi %parallel_loop3A_130, %parallel_loop3A_188 : vector<16xi32>
      %parallel_loop3A_190 = tpu.vector_load_idx %arg6[%parallel_loop3A_189] : memref<8008xf32, #tpu.memory_space<vmem>>[vector<16xi32>], vector<16xf32>,
      %parallel_loop3A_191 = arith.constant 896 : i32
      %parallel_loop3A_192 = arith.addi %parallel_loop3A_126, %parallel_loop3A_191 : i32
      %parallel_loop3A_193 = arith.index_cast %parallel_loop3A_192 : i32 to index
      %parallel_loop3A_194 = tpu.vector_load %arg7[%parallel_loop3A_193] {strides = array<i32>} : memref<32768xf32, #tpu.memory_space<vmem>>, vector<16xf32>,
      tpu.vector_store %arg7[%parallel_loop3A_193], %parallel_loop3A_190 {strides = array<i32>} : memref<32768xf32, #tpu.memory_space<vmem>>, vector<16xf32>,
    } {sc.loop_unroll_factor = 4 : i64, sc.parallel_access}
    %add3A_61 = arith.constant 16384 : i32
    %add3A_62 = arith.addi %mul3A_47, %add3A_61 : i32
    %dma_start3A_63 = arith.constant 16384 : i32
    %dma_start3A_64 = tpu.memref_slice %arg7[%dma_start3A_63] : memref<32768xf32, #tpu.memory_space<vmem>> -> memref<16384xf32, #tpu.memory_space<vmem>>
    %dma_start3A_65 = tpu.memref_slice %arg4[%add3A_62] : memref<1048576xf32, #tpu.memory_space<hbm>> -> memref<16384xf32, #tpu.memory_space<hbm>>
    %dma_start3A_66 = tpu.memref_slice %arg4[%add3A_62] : memref<1048576xf32, #tpu.memory_space<hbm>> -> memref<16384xf32, #tpu.memory_space<hbm>>
    %dma_start3A_67 = arith.constant 16384 : i32
    %dma_start3A_68 = tpu.memref_slice %arg7[%dma_start3A_67] : memref<32768xf32, #tpu.memory_space<vmem>> -> memref<16384xf32, #tpu.memory_space<vmem>>
    tpu.enqueue_dma source(%dma_start3A_68 : memref<16384xf32, #tpu.memory_space<vmem>>) target(%dma_start3A_66 : memref<16384xf32, #tpu.memory_space<hbm>>) target_semaphore(%arg8 : memref<!tpu.dma_semaphore, #tpu.memory_space<semaphore_mem>>)
    %dma_wait3A_69 = arith.constant 0 : i32
    %dma_wait3A_70 = tpu.memref_slice %arg7[%dma_wait3A_69] : memref<32768xf32, #tpu.memory_space<vmem>> -> memref<16384xf32, #tpu.memory_space<vmem>>
    %dma_wait3A_71 = tpu.memref_slice %arg4[%add3A_51] : memref<1048576xf32, #tpu.memory_space<hbm>> -> memref<16384xf32, #tpu.memory_space<hbm>>
    %dma_wait3A_72 = tpu.memref_slice %arg4[%add3A_51] : memref<1048576xf32, #tpu.memory_space<hbm>> -> memref<16384xf32, #tpu.memory_space<hbm>>
    %dma_wait3A_73 = arith.constant 0 : i32
    %dma_wait3A_74 = tpu.memref_slice %arg7[%dma_wait3A_73] : memref<32768xf32, #tpu.memory_space<vmem>> -> memref<16384xf32, #tpu.memory_space<vmem>>
    tpu.wait_dma2 semaphore(%arg8 : memref<!tpu.dma_semaphore, #tpu.memory_space<semaphore_mem>>) src(%dma_wait3A_74 : memref<16384xf32, #tpu.memory_space<vmem>>) dst(%dma_wait3A_72 : memref<16384xf32, #tpu.memory_space<hbm>>)
    %dma_wait3A_75 = arith.constant 16384 : i32
    %dma_wait3A_76 = tpu.memref_slice %arg7[%dma_wait3A_75] : memref<32768xf32, #tpu.memory_space<vmem>> -> memref<16384xf32, #tpu.memory_space<vmem>>
    %dma_wait3A_77 = tpu.memref_slice %arg4[%add3A_62] : memref<1048576xf32, #tpu.memory_space<hbm>> -> memref<16384xf32, #tpu.memory_space<hbm>>
    %dma_wait3A_78 = tpu.memref_slice %arg4[%add3A_62] : memref<1048576xf32, #tpu.memory_space<hbm>> -> memref<16384xf32, #tpu.memory_space<hbm>>
    %dma_wait3A_79 = arith.constant 16384 : i32
    %dma_wait3A_80 = tpu.memref_slice %arg7[%dma_wait3A_79] : memref<32768xf32, #tpu.memory_space<vmem>> -> memref<16384xf32, #tpu.memory_space<vmem>>
    tpu.wait_dma2 semaphore(%arg8 : memref<!tpu.dma_semaphore, #tpu.memory_space<semaphore_mem>>) src(%dma_wait3A_80 : memref<16384xf32, #tpu.memory_space<vmem>>) dst(%dma_wait3A_78 : memref<16384xf32, #tpu.memory_space<hbm>>)
    return
  }
}

</mosaic_0001>

<sc_bundles>
// kernel: kernel.3.cloned.1.call-start
scs
__scs_entry_jumppad:
0x0: {  	(pc) =	sbr.rel $0x88, $3  }
0x1: {  	(tag) =	ssettag $0x0;
	lr =	simm.s32 $0x1  }
0x2: {  	[smem:$0x3F9F] =	sst lr;
	_ =	strace $0xD0000000  }
0x3: {  	_ = 	snop  }
0x4: {  	_ = 	snop  }
0x5: {  	_ = 	snop  }
0x6: {  	_ = 	snop  }
0x7: {  	_ = 	snop  }
__scs_overlays_trampoline_lowered:
0x8: {  	[smem:$0x3FAE] =	sst s0  }
0x9: {  	[smem:$0x3FAF] =	sst s1  }
0xa: {  	[smem:$0x3FB0] =	sst s2  }
0xb: {  	[smem:$0x3FB1] =	sst s3  }
0xc: {  	[smem:$0x3FB2] =	sst s4  }
0xd: {  	[smem:$0x3FB3] =	sst s5  }
0xe: {  	[smem:$0x3FB4] =	sst s6  }
0xf: {  	[smem:$0x3FB5] =	sst s7  }
0x10: {  	[smem:$0x3FB6] =	sst s8  }
0x11: {  	[smem:$0x3FB7] =	sst s9;
	s0 =	simm.s32 @!p0 $0x0  }
0x12: {  	s1 =	sld [smem:$0x3F9D];
	s0 =	simm.s32 @p0 $0x1  }
0x13: {  	[smem:$0x3FB8] =	sst s0;
	s0 =	simm.s32 @!p1 $0x0  }
0x14: {  	s2 =	sld [smem:$0x3F9C];
	s0 =	simm.s32 @p1 $0x1  }
0x15: {  	[smem:$0x3FB9] =	sst s0;
	s0 =	simm.s32 @!p2 $0x0  }
0x16: {  	s3 =	sld [smem:$0x3FDB];
	s0 =	simm.s32 @p2 $0x1  }
0x17: {  	s4 =	simm.s32 $0x1BF5;
	[smem:$0x3FBB] =	sst s0  }
0x18: {  	s0 =	sld [smem:$0x3F9E];
	_ =	swait.ge [sflag:s4], $0x0  }
0x19: {  	s7 =	sld [smem:$0x3F9F]  }
0x1a: {  	s8 =	sadd.s32 $0xFFFFE003, lr  }
0x1b: {  	s9 =	sadd.s32 $0xFFFFFEF7, lr;
	s5 =	simm.s32 $0xFFFFFFFF;
	p2 =	slt.u32 s8, $0xFFFFF086  }
0x1c: {  	p1 =	slt.u32 s9, $0xF7A;
	s5 =	simm.s32 @!p2 $0x0  }
0x1d: {  	s5 =	simm.s32 @p1 $0x1;
	p0 =	seq.s32 s7, s2  }
0x1e: {  	s7 =	smul.u32 @!p0 $0xF7A, s2;
	p2 =	seq.s32 @!p0 s5, $0x0  }
0x1f: {  	s9 =	smul.u32 $0xF7A, s1;
	s8 =	simm.s32 @!p0 $0x1BF5;
	p2 =	por !p2, p0  }
0x20: {  	[sflag:s8] =	ssyncset.s32 @!p0 $0xFFFFF086;
	s6 =	sadd.s32 @!p0 s3, s7;
	s7 =	simm.s32 @!p0 $0x108  }
0x21: {  	s3 =	sadd.s32 s3, s9;
	s6 =	sadd.s32 @!p0 $0x88, s6;
	s7 =	simm.s32 @p2 $0x1082  }
0x22: {  	[simem:s7], [sflag:s8] =	dma.local @!p0 [hbm:s6], $0xF7A  }
0x23: {  	s9 =	sor.u32 $0xD0000000, s2;
	s6 =	simm.s32 $0x108;
	_ =	swait.ge @!p0 [sflag:s8], $0x0  }
0x24: {  	s3 =	sadd.s32 $0x88, s3;
	s6 =	simm.s32 @!p1 $0x1082;
	[sflag:s4] =	ssyncset.s32 $0xFFFFF086  }
0x25: {  	[simem:s6], [sflag:s4] =	dma.local [hbm:s3], $0xF7A  }
0x26: {  	[smem:$0x3F9F] =	sst s1;
	(tag) =	ssettag s2;
	_ =	strace s9  }
0x27: {  	s1 =	sld [smem:$0x3FAF]  }
0x28: {  	s2 =	sld [smem:$0x3FB0]  }
0x29: {  	s4 =	sld [smem:$0x3FB2]  }
0x2a: {  	p0 =	seq.s32 s5, $0x0;
	s5 =	sld [smem:$0x3FB3]  }
0x2b: {  	s6 =	sld [smem:$0x3FB4]  }
0x2c: {  	s7 =	sld [smem:$0x3FB5]  }
0x2d: {  	s3 =	simm.s32 $0x108;
	s8 =	sld [smem:$0x3FB6]  }
0x2e: {  	s3 =	simm.s32 @!p0 $0x1082;
	s9 =	sld [smem:$0x3FB7]  }
0x2f: {  	lr =	sadd.s32 s0, s3;
	s0 =	sld [smem:$0x3FAE]  }
0x30: {  	s3 =	sld [smem:$0x3FB1]  }
0x31: {  	[smem:$0x3FBA] =	sst s10  }
0x32: {  	s10 =	sld [smem:$0x3FB8];
	_ =	sdelay $0x3  }
0x33: {  	p0 =	seq.s32 s10, $0x1;
	s10 =	sld [smem:$0x3FBA];
	_ =	sdelay $0x3  }
0x34: {  	[smem:$0x3FBA] =	sst s10  }
0x35: {  	s10 =	sld [smem:$0x3FB9];
	_ =	sdelay $0x3  }
0x36: {  	p1 =	seq.s32 s10, $0x1;
	s10 =	sld [smem:$0x3FBA];
	_ =	sdelay $0x3  }
0x37: {  	[smem:$0x3FBA] =	sst s10  }
0x38: {  	s10 =	sld [smem:$0x3FBB]  }
0x39: {  	_ = 	snop;
	(pc) =	sbr.ind lr, $3  }
0x3a: {  	_ = 	snop  }
0x3b: {  	_ = 	snop  }
0x3c: {  	p2 =	seq.s32 s10, $0x1;
	s10 =	sld [smem:$0x3FBA]  }
0x3d: {  	_ =	shalt  }
0x3e: {  	_ =	shalt  }
0x3f: {  	_ =	shalt  }
0x40: {  	_ =	shalt  }
0x41: {  	_ =	shalt  }
0x42: {  	_ =	shalt  }
0x43: {  	_ =	shalt  }
0x44: {  	_ =	shalt  }
0x45: {  	_ =	shalt  }
0x46: {  	_ =	shalt  }
0x47: {  	_ =	shalt  }
0x48: {  	_ =	shalt  }
0x49: {  	_ =	shalt  }
0x4a: {  	_ =	shalt  }
0x4b: {  	_ =	shalt  }
0x4c: {  	_ =	shalt  }
0x4d: {  	_ =	shalt  }
0x4e: {  	_ =	shalt  }
0x4f: {  	_ =	shalt  }
0x50: {  	_ =	shalt  }
0x51: {  	_ =	shalt  }
0x52: {  	_ =	shalt  }
0x53: {  	_ =	shalt  }
0x54: {  	_ =	shalt  }
0x55: {  	_ =	shalt  }
0x56: {  	_ =	shalt  }
0x57: {  	_ =	shalt  }
0x58: {  	_ =	shalt  }
0x59: {  	_ =	shalt  }
0x5a: {  	_ =	shalt  }
0x5b: {  	_ =	shalt  }
0x5c: {  	_ =	shalt  }
0x5d: {  	_ =	shalt  }
0x5e: {  	_ =	shalt  }
0x5f: {  	_ =	shalt  }
0x60: {  	_ =	shalt  }
0x61: {  	_ =	shalt  }
0x62: {  	_ =	shalt  }
0x63: {  	_ =	shalt  }
0x64: {  	_ =	shalt  }
0x65: {  	_ =	shalt  }
0x66: {  	_ =	shalt  }
0x67: {  	_ =	shalt  }
0x68: {  	_ =	shalt  }
0x69: {  	_ =	shalt  }
0x6a: {  	_ =	shalt  }
0x6b: {  	_ =	shalt  }
0x6c: {  	_ =	shalt  }
0x6d: {  	_ =	shalt  }
0x6e: {  	_ =	shalt  }
0x6f: {  	_ =	shalt  }
0x70: {  	_ =	shalt  }
0x71: {  	_ =	shalt  }
0x72: {  	_ =	shalt  }
0x73: {  	_ =	shalt  }
0x74: {  	_ =	shalt  }
0x75: {  	_ =	shalt  }
0x76: {  	_ =	shalt  }
0x77: {  	_ =	shalt  }
0x78: {  	_ =	shalt  }
0x79: {  	_ =	shalt  }
0x7a: {  	_ =	shalt  }
0x7b: {  	_ =	shalt  }
0x7c: {  	_ =	shalt  }
0x7d: {  	_ =	shalt  }
0x7e: {  	_ =	shalt  }
0x7f: {  	_ =	shalt  }
0x80: {  	_ =	shalt  }
0x81: {  	_ =	shalt  }
0x82: {  	_ =	shalt  }
0x83: {  	_ =	shalt  }
0x84: {  	_ =	shalt  }
0x85: {  	_ =	shalt  }
0x86: {  	_ =	shalt  }
0x87: {  	_ =	shalt  }
.Lfunc_end0:
.L_simem_size_0:
called_computation_lowered:
.L_overlay_start_0:
0x88: {  	s2 =	sld [smem:$0x3FD9]  }
0x89: {  	s3 =	sld [smem:$0x3FFE];
	_ =	sdelay $0x1  }
0x8a: {  	s1 =	srdreg.scid  }
0x8b: {  	s0 =	sand.u32 $0x1, s1  }
0x8c: {  	s17 =	sshll.u32 s0, $0xA;
	s2 =	sadd.s32 s3, s2  }
0x8d: {  	s2 =	sadd.s32 s2, s17  }
0x8e: {  	[smem:$0x3FC6] =	sst s2  }
0x8f: {  	_ = 	snop  }
0x90: {  	s2 =	sld [smem:$0x3FC9]  }
0x91: {  	s18 =	sld [smem:$0x3FD0];
	(tm) =	ssettm $0x1  }
0x92: {  	s4 =	sld [smem:$0x3FFB];
	_ =	sdelay $0x3  }
0x93: {  	_ =	strace s4  }
0x94: {  	s4 =	sld [smem:$0x3FFC];
	_ =	sdelay $0x3  }
0x95: {  	_ =	strace s4  }
0x96: {  	s4 =	sld [smem:$0x3FFD];
	_ =	sdelay $0x3  }
0x97: {  	_ =	strace s4  }
0x98: {  	_ =	strace $0x8FFFFFFF  }
0x99: {  	s19 =	sld [smem:$0x3FDB];
	_ =	sdelay $0x1  }
0x9a: {  	s5 =	simm.s32 $_scs_section_size  }
0x9b: {  	s6 =	simm.s32 $_size__tile_overlayer_lowered;
	s7 =	simm.s32 $_tile_overlayer_lowered  }
0x9c: {  	s22 =	simm.s32 $0x1BFF;
	s21 =	sshll.u32 s7, $0x1;
	s4 =	sadd.s32 s5, s19  }
0x9d: {  	s8 =	simm.s32 $0x0;
	s20 =	sshll.u32 s6, $0x1;
	s6 =	sadd.s32 s21, s4  }
0x9e: {  	[timem:s8], [sflag:s22] =	dma.local [hbm:s6], s20  }
0x9f: {  	_ =	swait.ge [sflag:s22], s20  }
0xa0: {  	s5 =	ssub.s32 $0x0, s20;
	[sflag:s22] =	ssyncset.done $0x0  }
0xa1: {  	[sflag:s22] =	ssyncadd.s32 s5;
	_ =	sdelay $0x1  }
0xa2: {  	s23 =	simm.s32 $0x1B8B  }
0xa3: {  	_ =	swait.ge [sflag:s23], $0x1  }
0xa4: {  	[sflag:s23] =	ssyncset.done $0x0  }
0xa5: {  	s25 =	simm.s32 $0x1B8E;
	s24 =	sld [smem:$0x3FFE];
	[sflag:s23] =	ssyncadd.s32 $0xFFFFFFFF  }
0xa6: {  	s26 =	simm.s32 $execute0_lowered;
	[smem:$0x3FD2] =	sst s25  }
0xa7: {  	s6 =	sshll.u32 s26, $0x1;
	_ =	strace $0x80000046;
	[dreg:$0x1] =	wrdreg $0xFFFFFFFF  }
0xa8: {  	s28 =	simm.s32 $_size_execute0_lowered;
	s4 =	sadd.s32 s4, s6;
	[dreg:$0x0] =	wrdreg $0x0  }
0xa9: {  	s6 =	sshll.u32 s28, $0x1;
	[dreg:$0x2] =	wrdreg s4  }
0xaa: {  	[dreg:$0x3] =	wrdreg s6  }
0xab: {  	[dreg:$0x4] =	wrdreg $0xC0  }
0xac: {  	_ =	task [dreg:s8], $0x5FFFF  }
0xad: {  	[dreg:$0x1] =	wrdreg $0xFFFFFFFF  }
0xae: {  	[dreg:$0x0] =	wrdreg $0x60  }
0xaf: {  	[dreg:$0x2] =	wrdreg s2  }
0xb0: {  	[dreg:$0x3] =	wrdreg s24  }
0xb1: {  	[dreg:$0x4] =	wrdreg s18  }
0xb2: {  	[dreg:$0x5] =	wrdreg $0x9  }
0xb3: {  	_ =	task.clear_ibuf [dreg:s8], $0x6FFFF;
	_ =	strace $0x90000046  }
0xb4: {  	s29 =	simm.s32 $0x9;
	_ =	strace $0x80000048  }
0xb5: {  	_ =	swait.ge [sflag:s29], $0x1  }
0xb6: {  	[sflag:s29] =	ssyncadd.s32 $0xFFFFFFFF  }
0xb7: {  	_ =	strace $0x90000048  }
0xb8: {  	_ =	sfence  }
0xb9: {  	s30 =	sld [smem:$0x0];
	_ =	sdelay $0x2  }
0xba: {  	s31 =	sshll.u32 s1, $0xD;
	s1 =	sshrl.u32 s1, $0x2  }
0xbb: {  	s3 =	sand.u32 $0x4000, s31;
	s1 =	sadd.s32 s1, s30  }
0xbc: {  	s0 =	sor.u32 s3, s0;
	s1 =	sshll.u32 s1, $0x11  }
0xbd: {  	s0 =	sor.u32 s1, s0  }
0xbe: {  	s0 =	sadd.s32 $0x8F2B, s0  }
0xbf: {  	[sflag:s0] =	ssyncadd.remote.s32 $0x1  }
0xc0: {  	_ =	sfence.sel $0xFFFF  }
0xc1: {  	[dreg:$0x0] =	wrdreg $0xFFFFFFFF;
	(pc) =	sbr.abs _section_cstart, $3  }
0xc2: {  	[dreg:$0x1] =	wrdreg $0xFFFFFFFF  }
0xc3: {  	_ =	task.clear_ibuf [dreg:s8], $0x2FFFF;
	_ =	strace $0x9FFFFFFF  }
0xc4: {  	(tm) =	ssettm $0x7FFFFFFF  }
0xc5: {  	_ =	shalt  }
tec
execute0_lowered:
.L_overlay_start_1:
0x0: {  	(tag) =	ssettag $0x1  }
0x1: {  	s4 =	rddreg [dreg:$0x0]  }
0x2: {  	s3 =	rddreg [dreg:$0x1]  }
0x3: {  	s5 =	rddreg [dreg:$0x2]  }
0x4: {  	s0 =	rddreg [dreg:$0x3];
	s2 =	simm.s32 $0x0;
	s1 =	stileid.u32  }
0x5: {  	s6 =	srdreg.scid;
	s11 =	simm.s32 $0x6F80;
	s12 =	simm.s32 $0x0  }
0x6: {  	[smem:$0x7FF] =	sst s2;
	s7 =	sshll.u32 s1, $0x1;
	s8 =	sshrl.u32 s1, $0x1  }
0x7: {  	s6 =	sand.u32 $0x1, s6;
	s7 =	sand.u32 $0x2, s7;
	s9 =	smul.u32 $0x3E9, s8  }
0x8: {  	_ =	strace $0x80000047;
	s8 =	sshll.u32 s8, $0xE;
	s7 =	sor.u32 s6, s7  }
0x9: {  	s6 =	ssub.s32 $0x2, s6;
	s10 =	sshll.u32 s7, $0xC;
	s9 =	sadd.s32 s9, s3  }
0xa: {  	s29 =	sshrl.u32 s6, $0x1;
	s31 =	sshll.u32 s7, $0x9;
	s8 =	sor.u32 s8, s10  }
0xb: {  	s30 =	ssub.s32 s6, s29;
	s4 =	sadd.s32 s4, s31;
	s10 =	simm.s32 $0x2F80  }
0xc: {  	s3 =	sadd.s32 s5, s8;
	s5 =	sadd.s32 $0x400, s9;
	s7 =	smax.u32 s30, $0x1  }
0xd: {  	s8 =	simm.s32 $0x1000;
	s9 =	simm.s32 $0x1;
	s6 =	sadd.s32 $0x800, s3  }
.LBB2_1:
0xe: {  	[tilespmem:s2], [sflag:$0x1] =	stream.linear.gather [hbm4b:s4+s2], $0x1000, $0x38;
	[tilespmem:$0xAF80] =	vst v63  }
0xf: {  	_ = 	snop  }
0x10: {  	[tilespmem:s8], [sflag:$0x1] =	stream.linear.gather [hbm4b:s5+s2], $0x1F48, $0x38;
	[tilespmem:$0xAF80] =	vst v63  }
0x11: {  	_ =	swait.ge [sflag:s9], $0x1000  }
0x12: {  	[sflag:s9] =	ssyncset.done $0x0  }
0x13: {  	[sflag:s9] =	ssyncadd.s32 $0xFFFFF000  }
0x14: {  	_ =	swait.ge [sflag:s9], $0x1F48  }
0x15: {  	[sflag:s9] =	ssyncset.done $0x0  }
0x16: {  	s13 =	simm.s32 $0x20;
	[sflag:s9] =	ssyncadd.s32 $0xFFFFE0B8  }
0x17: {  	v7 =	vld [tilespmem:s13+$0x10]  }
0x18: {  	v6 =	vld [tilespmem:s13+$0xFFFFFFE0];
	_ =	sdelay $0x1  }
0x19: {  	v0 =	vld [tilespmem:s13+$0xFFFFFFF0];
	_ =	sdelay $0x1  }
0x1a: {  	v1 =	vld [tilespmem:s13+$0x0];
	_ =	sdelay $0x2  }
0x1b: {  	v2 =	vld.idx.msk [tilespmem:v7+s8+$0x0], $0xffff  }
0x1c: {  	v3 =	vadd.s32 $0x3E9, v7;
	v4 =	vld.idx.msk [tilespmem:v6+s8+$0x0], $0xffff  }
0x1d: {  	s18 =	sand.u32 $0x3C00, s2;
	s14 =	simm.s32 $0x30;
	v5 =	vadd.s32 $0x3E9, v6  }
0x1e: {  	s14 =	sand.u32 $0x70, s14;
	s13 =	sadd.s32 $0x2F80, s18;
	v8 =	vld.idx.msk [tilespmem:v0+s8+$0x0], $0xffff  }
0x1f: {  	s19 =	simm.s32 $0x10;
	s15 =	sand.u32 $0x40, s2;
	s17 =	sor.u32 s14, s13;
	v9 =	vadd.s32 $0x3E9, v0  }
0x20: {  	s14 =	sand.u32 $0x50, s19;
	s19 =	sor.u32 s15, s13;
	v10 =	vld.idx.msk [tilespmem:v1+s8+$0x0], $0xffff;
	[tilespmem:s17+$0x0] =	vst v2  }
0x21: {  	v11 =	vadd.s32 $0x3E9, v1;
	[tilespmem:s19+$0x0] =	vst v4;
	v2 =	vld.idx.msk [tilespmem:v3+s8+$0x0], $0xffff  }
0x22: {  	s16 =	simm.s32 $0x20;
	s18 =	sor.u32 s14, s13;
	v3 =	vadd.s32 $0x7D2, v7;
	v4 =	vld.idx.msk [tilespmem:v5+s8+$0x0], $0xffff  }
0x23: {  	s20 =	sand.u32 $0x60, s16;
	[tilespmem:s18+$0x0] =	vst v8;
	v5 =	vadd.s32 $0x7D2, v6  }
0x24: {  	s13 =	sor.u32 s20, s13;
	v8 =	vld.idx.msk [tilespmem:v9+s8+$0x0], $0xffff  }
0x25: {  	[tilespmem:s13+$0x0] =	vst v10;
	v9 =	vadd.s32 $0x7D2, v0  }
0x26: {  	v10 =	vld.idx.msk [tilespmem:v11+s8+$0x0], $0xffff;
	[tilespmem:s17+$0x80] =	vst v2  }
0x27: {  	v11 =	vadd.s32 $0x7D2, v1;
	[tilespmem:s19+$0x80] =	vst v4;
	v2 =	vld.idx.msk [tilespmem:v3+s8+$0x0], $0xffff  }
0x28: {  	s26 =	simm.s32 $0xA0;
	v4 =	vld.idx.msk [tilespmem:v5+s8+$0x0], $0xffff  }
0x29: {  	v21 =	vld [tilespmem:s26+$0xFFFFFFF0];
	[tilespmem:s18+$0x80] =	vst v8;
	v3 =	vadd.s32 $0xBBB, v7  }
0x2a: {  	v5 =	vadd.s32 $0xBBB, v6;
	v8 =	vld.idx.msk [tilespmem:v9+s8+$0x0], $0xffff  }
0x2b: {  	v22 =	vld [tilespmem:s26+$0x0];
	[tilespmem:s13+$0x80] =	vst v10;
	v9 =	vadd.s32 $0xBBB, v0  }
0x2c: {  	s21 =	simm.s32 $0x60;
	v10 =	vld.idx.msk [tilespmem:v11+s8+$0x0], $0xffff;
	[tilespmem:s17+$0x100] =	vst v2  }
0x2d: {  	v11 =	vadd.s32 $0xBBB, v1;
	[tilespmem:s19+$0x100] =	vst v4;
	v4 =	vld [tilespmem:s21+$0xFFFFFFE0]  }
0x2e: {  	v2 =	vld.idx.msk [tilespmem:v3+s8+$0x0], $0xffff  }
0x2f: {  	[tilespmem:s18+$0x100] =	vst v8;
	v3 =	vadd.s32 $0xFA4, v7;
	v12 =	vld.idx.msk [tilespmem:v5+s8+$0x0], $0xffff  }
0x30: {  	v8 =	vld.idx.msk [tilespmem:v9+s8+$0x0], $0xffff  }
0x31: {  	[tilespmem:s13+$0x100] =	vst v10;
	v10 =	vadd.s32 $0xFA4, v6;
	v5 =	vld [tilespmem:s21+$0x10]  }
0x32: {  	v9 =	vld.idx.msk [tilespmem:v11+s8+$0x0], $0xffff;
	v11 =	vadd.s32 $0xFA4, v0  }
0x33: {  	v14 =	vadd.s32 $0xFA4, v1;
	[tilespmem:s17+$0x180] =	vst v2;
	v2 =	vld [tilespmem:s21+$0xFFFFFFF0]  }
0x34: {  	v13 =	vld.idx.msk [tilespmem:v3+s8+$0x0], $0xffff  }
0x35: {  	v15 =	vadd.s32 $0x138D, v7;
	[tilespmem:s19+$0x180] =	vst v12;
	v3 =	vld [tilespmem:s21+$0x0]  }
0x36: {  	[tilespmem:s18+$0x180] =	vst v8;
	v8 =	vld.idx.msk [tilespmem:v10+s8+$0x0], $0xffff  }
0x37: {  	[tilespmem:s13+$0x180] =	vst v9;
	v9 =	vld.idx.msk [tilespmem:v11+s8+$0x0], $0xffff;
	v11 =	vadd.s32 $0x138D, v6  }
0x38: {  	v10 =	vld.idx.msk [tilespmem:v14+s8+$0x0], $0xffff  }
0x39: {  	v14 =	vld.idx.msk [tilespmem:v5+s8+$0x0], $0xffff;
	[tilespmem:s17+$0x200] =	vst v13  }
0x3a: {  	s22 =	simm.s32 $0x200;
	v18 =	vadd.s32 $0x3E9, v5;
	v12 =	vld.idx.msk [tilespmem:v15+s8+$0x0], $0xffff  }
0x3b: {  	s23 =	simm.s32 $0x70;
	s14 =	sand.u32 $0x3C00, s22;
	v13 =	vadd.s32 $0x138D, v0;
	[tilespmem:s19+$0x200] =	vst v8;
	v15 =	vld.idx.msk [tilespmem:v4+s8+$0x0], $0xffff  }
0x3c: {  	s15 =	sand.u32 $0x70, s23;
	s14 =	sadd.s32 $0x2F80, s14;
	v19 =	vadd.s32 $0x138D, v1;
	[tilespmem:s18+$0x200] =	vst v9;
	v9 =	vld.idx.msk [tilespmem:v11+s8+$0x0], $0xffff  }
0x3d: {  	s23 =	sor.u32 s15, s14;
	v16 =	vadd.s32 $0x1776, v7;
	v17 =	vld.idx.msk [tilespmem:v2+s8+$0x0], $0xffff  }
0x3e: {  	s24 =	simm.s32 $0x40;
	v20 =	vadd.s32 $0x3E9, v4;
	[tilespmem:s23+$0x0] =	vst v14;
	v8 =	vld.idx.msk [tilespmem:v3+s8+$0x0], $0xffff  }
0x3f: {  	s16 =	sand.u32 $0x40, s24;
	[tilespmem:s13+$0x200] =	vst v10;
	v10 =	vld.idx.msk [tilespmem:v18+s8+$0x0], $0xffff  }
0x40: {  	s16 =	sor.u32 s16, s14;
	v11 =	vadd.s32 $0x3E9, v2;
	v13 =	vld.idx.msk [tilespmem:v13+s8+$0x0], $0xffff;
	[tilespmem:s17+$0x280] =	vst v12  }
0x41: {  	s25 =	simm.s32 $0x50;
	v12 =	vadd.s32 $0x3E9, v3;
	[tilespmem:s16+$0x0] =	vst v15;
	v15 =	vld.idx.msk [tilespmem:v19+s8+$0x0], $0xffff  }
0x42: {  	s20 =	simm.s32 $0x60;
	s15 =	sand.u32 $0x50, s25;
	v19 =	vadd.s32 $0x1776, v0;
	v14 =	vld.idx.msk [tilespmem:v16+s8+$0x0], $0xffff  }
0x43: {  	s20 =	sand.u32 $0x60, s20;
	s15 =	sor.u32 s15, s14;
	[tilespmem:s19+$0x280] =	vst v9;
	v16 =	vadd.s32 $0x1776, v6;
	v18 =	vld.idx.msk [tilespmem:v20+s8+$0x0], $0xffff  }
0x44: {  	s14 =	sor.u32 s20, s14;
	[tilespmem:s15+$0x0] =	vst v17;
	v17 =	vadd.s32 $0x7D2, v5;
	v20 =	vld [tilespmem:s26+$0xFFFFFFE0]  }
0x45: {  	v11 =	vld.idx.msk [tilespmem:v11+s8+$0x0], $0xffff;
	[tilespmem:s14+$0x0] =	vst v8;
	v8 =	vadd.s32 $0x7D2, v4  }
0x46: {  	v9 =	vadd.s32 $0x7D2, v2;
	[tilespmem:s18+$0x280] =	vst v13;
	v12 =	vld.idx.msk [tilespmem:v12+s8+$0x0], $0xffff  }
0x47: {  	[tilespmem:s23+$0x80] =	vst v10;
	v10 =	vadd.s32 $0x1776, v1;
	v13 =	vld.idx.msk [tilespmem:v19+s8+$0x0], $0xffff  }
0x48: {  	v16 =	vld.idx.msk [tilespmem:v16+s8+$0x0], $0xffff;
	[tilespmem:s17+$0x300] =	vst v14;
	v14 =	vadd.s32 $0x7D2, v3  }
0x49: {  	v0 =	vadd.s32 $0x1B5F, v0;
	v17 =	vld.idx.msk [tilespmem:v17+s8+$0x0], $0xffff;
	[tilespmem:s16+$0x80] =	vst v18  }
0x4a: {  	v18 =	vadd.s32 $0xBBB, v5;
	v8 =	vld.idx.msk [tilespmem:v8+s8+$0x0], $0xffff;
	[tilespmem:s15+$0x80] =	vst v11  }
0x4b: {  	[tilespmem:s13+$0x280] =	vst v15;
	v9 =	vld.idx.msk [tilespmem:v9+s8+$0x0], $0xffff  }
0x4c: {  	v6 =	vadd.s32 $0x1B5F, v6;
	v10 =	vld.idx.msk [tilespmem:v10+s8+$0x0], $0xffff;
	[tilespmem:s14+$0x80] =	vst v12  }
0x4d: {  	v11 =	vadd.s32 $0xBBB, v4;
	[tilespmem:s18+$0x300] =	vst v13;
	v14 =	vld.idx.msk [tilespmem:v14+s8+$0x0], $0xffff  }
0x4e: {  	v12 =	vadd.s32 $0xBBB, v2;
	[tilespmem:s23+$0x100] =	vst v17;
	v13 =	vld.idx.msk [tilespmem:v0+s8+$0x0], $0xffff  }
0x4f: {  	v15 =	vadd.s32 $0xBBB, v3;
	[tilespmem:s19+$0x300] =	vst v16;
	v17 =	vld.idx.msk [tilespmem:v18+s8+$0x0], $0xffff  }
0x50: {  	v0 =	vld [tilespmem:s26+$0x10];
	[tilespmem:s15+$0x100] =	vst v9;
	v9 =	vadd.s32 $0xFA4, v5  }
0x51: {  	v7 =	vadd.s32 $0x1B5F, v7;
	[tilespmem:s16+$0x100] =	vst v8;
	v6 =	vld.idx.msk [tilespmem:v6+s8+$0x0], $0xffff  }
0x52: {  	v8 =	vld.idx.msk [tilespmem:v11+s8+$0x0], $0xffff  }
0x53: {  	v11 =	vld.idx.msk [tilespmem:v12+s8+$0x0], $0xffff;
	[tilespmem:s14+$0x100] =	vst v14  }
0x54: {  	v14 =	vadd.s32 $0xFA4, v4;
	v12 =	vld.idx.msk [tilespmem:v15+s8+$0x0], $0xffff;
	[tilespmem:s23+$0x180] =	vst v17  }
0x55: {  	[tilespmem:s13+$0x300] =	vst v10;
	v15 =	vadd.s32 $0xFA4, v2;
	v9 =	vld.idx.msk [tilespmem:v9+s8+$0x0], $0xffff  }
0x56: {  	v7 =	vld.idx.msk [tilespmem:v7+s8+$0x0], $0xffff;
	[tilespmem:s18+$0x380] =	vst v13  }
0x57: {  	v16 =	vadd.s32 $0xFA4, v3;
	v13 =	vld.idx.msk [tilespmem:v21+s8+$0x0], $0xffff;
	[tilespmem:s19+$0x380] =	vst v6  }
0x58: {  	v17 =	vadd.s32 $0x138D, v5;
	v6 =	vld.idx.msk [tilespmem:v20+s8+$0x0], $0xffff;
	[tilespmem:s16+$0x180] =	vst v8  }
0x59: {  	s18 =	simm.s32 $0x400;
	[tilespmem:s15+$0x180] =	vst v11;
	v8 =	vld.idx.msk [tilespmem:v14+s8+$0x0], $0xffff  }
0x5a: {  	s28 =	sand.u32 $0x3C00, s18;
	s19 =	simm.s32 $0x80;
	v11 =	vld.idx.msk [tilespmem:v15+s8+$0x0], $0xffff;
	[tilespmem:s23+$0x200] =	vst v9;
	v9 =	vadd.s32 $0x138D, v4  }
0x5b: {  	s30 =	sadd.s32 $0x2F80, s28;
	s22 =	sand.u32 $0x40, s19;
	v10 =	vld.idx.msk [tilespmem:v0+s8+$0x0], $0xffff;
	v14 =	vadd.s32 $0x138D, v2;
	[tilespmem:s14+$0x180] =	vst v12  }
0x5c: {  	[tilespmem:s17+$0x380] =	vst v7;
	s22 =	sor.u32 s22, s30;
	v12 =	vld.idx.msk [tilespmem:v16+s8+$0x0], $0xffff;
	v16 =	vadd.s32 $0x3E9, v0  }
0x5d: {  	s29 =	simm.s32 $0xB0;
	v18 =	vadd.s32 $0x3E9, v20;
	[tilespmem:s22+$0x0] =	vst v6;
	v7 =	vld.idx.msk [tilespmem:v17+s8+$0x0], $0xffff  }
0x5e: {  	s31 =	sand.u32 $0x70, s29;
	v17 =	vadd.s32 $0x138D, v3;
	[tilespmem:s16+$0x200] =	vst v8;
	v8 =	vld.idx.msk [tilespmem:v22+s8+$0x0], $0xffff  }
0x5f: {  	s17 =	sor.u32 s31, s30;
	v15 =	vadd.s32 $0x1776, v5;
	[tilespmem:s15+$0x200] =	vst v11;
	v9 =	vld.idx.msk [tilespmem:v9+s8+$0x0], $0xffff  }
0x60: {  	s21 =	simm.s32 $0x90;
	[tilespmem:s17+$0x0] =	vst v10;
	v11 =	vadd.s32 $0x3E9, v21;
	v14 =	vld.idx.msk [tilespmem:v14+s8+$0x0], $0xffff  }
0x61: {  	s21 =	sand.u32 $0x50, s21;
	v1 =	vadd.s32 $0x1B5F, v1;
	[tilespmem:s14+$0x200] =	vst v12;
	v12 =	vld.idx.msk [tilespmem:v16+s8+$0x0], $0xffff  }
0x62: {  	s24 =	simm.s32 $0xA0;
	s21 =	sor.u32 s21, s30;
	v16 =	vld.idx.msk [tilespmem:v18+s8+$0x0], $0xffff;
	[tilespmem:s23+$0x280] =	vst v7;
	v7 =	vadd.s32 $0x3E9, v22  }
0x63: {  	s24 =	sand.u32 $0x60, s24;
	[tilespmem:s21+$0x0] =	vst v13;
	v13 =	vadd.s32 $0x7D2, v0;
	v6 =	vld.idx.msk [tilespmem:v17+s8+$0x0], $0xffff  }
0x64: {  	s20 =	sor.u32 s24, s30;
	v17 =	vadd.s32 $0x1776, v2;
	v10 =	vld.idx.msk [tilespmem:v15+s8+$0x0], $0xffff  }
0x65: {  	v15 =	vadd.s32 $0x1776, v4;
	[tilespmem:s20+$0x0] =	vst v8;
	v11 =	vld.idx.msk [tilespmem:v11+s8+$0x0], $0xffff  }
0x66: {  	v5 =	vadd.s32 $0x1B5F, v5;
	[tilespmem:s15+$0x280] =	vst v14;
	v14 =	vld.idx.msk [tilespmem:v1+s8+$0x0], $0xffff  }
0x67: {  	v8 =	vadd.s32 $0x7D2, v20;
	[tilespmem:s17+$0x80] =	vst v12;
	v7 =	vld.idx.msk [tilespmem:v7+s8+$0x0], $0xffff  }
0x68: {  	[tilespmem:s16+$0x280] =	vst v9;
	v9 =	vadd.s32 $0x7D2, v21;
	v13 =	vld.idx.msk [tilespmem:v13+s8+$0x0], $0xffff  }
0x69: {  	v12 =	vadd.s32 $0x1776, v3;
	[tilespmem:s22+$0x80] =	vst v16;
	v16 =	vld.idx.msk [tilespmem:v17+s8+$0x0], $0xffff  }
0x6a: {  	v15 =	vld.idx.msk [tilespmem:v15+s8+$0x0], $0xffff;
	[tilespmem:s23+$0x300] =	vst v10;
	v10 =	vadd.s32 $0x7D2, v22  }
0x6b: {  	v4 =	vadd.s32 $0x1B5F, v4;
	[tilespmem:s14+$0x280] =	vst v6;
	v5 =	vld.idx.msk [tilespmem:v5+s8+$0x0], $0xffff  }
0x6c: {  	v8 =	vld.idx.msk [tilespmem:v8+s8+$0x0], $0xffff;
	[tilespmem:s21+$0x80] =	vst v11;
	v11 =	vadd.s32 $0xBBB, v0  }
0x6d: {  	v9 =	vld.idx.msk [tilespmem:v9+s8+$0x0], $0xffff;
	[tilespmem:s20+$0x80] =	vst v7;
	v7 =	vadd.s32 $0xBBB, v20  }
0x6e: {  	v26 =	vadd.s32 $0x1B5F, v2;
	v24 =	vld.idx.msk [tilespmem:v12+s8+$0x0], $0xffff;
	[tilespmem:s17+$0x100] =	vst v13  }
0x6f: {  	v6 =	vadd.s32 $0xBBB, v21;
	v23 =	vld.idx.msk [tilespmem:v10+s8+$0x0], $0xffff;
	[tilespmem:s16+$0x300] =	vst v15  }
0x70: {  	v25 =	vadd.s32 $0xBBB, v22;
	[tilespmem:s15+$0x300] =	vst v16;
	v15 =	vld.idx.msk [tilespmem:v4+s8+$0x0], $0xffff  }
0x71: {  	v12 =	vadd.s32 $0xFA4, v21;
	[tilespmem:s22+$0x100] =	vst v8;
	v4 =	vadd.s32 $0x1B5F, v21;
	v17 =	vld.idx.msk [tilespmem:v11+s8+$0x0], $0xffff  }
0x72: {  	[tilespmem:s21+$0x100] =	vst v9;
	v9 =	vadd.s32 $0x138D, v21;
	v18 =	vld.idx.msk [tilespmem:v7+s8+$0x0], $0xffff;
	v7 =	vadd.s32 $0x1776, v21;
	v21 =	vadd.s32 $0xFA4, v0  }
0x73: {  	v2 =	vadd.s32 $0x1B5F, v22;
	v1 =	vadd.s32 $0x1B5F, v3;
	v3 =	vadd.s32 $0x1B5F, v20;
	v16 =	vld.idx.msk [tilespmem:v26+s8+$0x0], $0xffff;
	[tilespmem:s23+$0x380] =	vst v5  }
0x74: {  	v13 =	vadd.s32 $0xFA4, v20;
	v10 =	vadd.s32 $0x138D, v22;
	v8 =	vadd.s32 $0x138D, v20;
	v19 =	vld.idx.msk [tilespmem:v6+s8+$0x0], $0xffff;
	[tilespmem:s20+$0x100] =	vst v23  }
0x75: {  	s24 =	simm.s32 $0xE0;
	v5 =	vadd.s32 $0x1776, v20;
	s23 =	simm.s32 $0x8;
	v11 =	vadd.s32 $0xFA4, v22;
	[tilespmem:s14+$0x300] =	vst v24;
	v6 =	vadd.s32 $0x1776, v22;
	v20 =	vld.idx.msk [tilespmem:v25+s8+$0x0], $0xffff  }
.LBB2_2:
0x76: {  	v22 =	vld [tilespmem:s24+$0x10];
	[tilespmem:s17+$0x180] =	vst v17  }
0x77: {  	s23 =	sadd.s32 $0x4, s23;
	v17 =	vld.idx.msk [tilespmem:v21+s8+$0x0], $0xffff;
	[tilespmem:s16+$0x380] =	vst v15;
	s16 =	smov.u32 s22  }
0x78: {  	p0 =	slt.u32 s23, $0x7C;
	v15 =	vld [tilespmem:s24+$0xFFFFFFE0];
	[tilespmem:s16+$0x180] =	vst v18  }
0x79: {  	v18 =	vld [tilespmem:s24+$0xFFFFFFF0];
	[tilespmem:s21+$0x180] =	vst v19;
	v19 =	vadd.s32 $0x138D, v0  }
0x7a: {  	v21 =	vld [tilespmem:s24+$0x0];
	[tilespmem:s20+$0x180] =	vst v20  }
0x7b: {  	v20 =	vld.idx.msk [tilespmem:v13+s8+$0x0], $0xffff;
	[tilespmem:s15+$0x380] =	vst v16;
	s15 =	smov.u32 s21  }
0x7c: {  	v16 =	vld.idx.msk [tilespmem:v12+s8+$0x0], $0xffff;
	[tilespmem:s13+$0x380] =	vst v14;
	s13 =	smov.u32 s14;
	s14 =	smov.u32 s20  }
0x7d: {  	v14 =	vadd.s32 $0x3E9, v15;
	v23 =	vadd.s32 $0x7D2, v15;
	v24 =	vadd.s32 $0xBBB, v15;
	v25 =	vld.idx.msk [tilespmem:v11+s8+$0x0], $0xffff;
	[tilespmem:s17+$0x200] =	vst v17  }
0x7e: {  	v17 =	vadd.s32 $0x3E9, v18;
	v26 =	vadd.s32 $0x7D2, v18;
	v27 =	vadd.s32 $0xBBB, v18;
	v19 =	vld.idx.msk [tilespmem:v19+s8+$0x0], $0xffff  }
0x7f: {  	v28 =	vadd.s32 $0x3E9, v21;
	v29 =	vadd.s32 $0x7D2, v21;
	v30 =	vadd.s32 $0xBBB, v21;
	v31 =	vld.idx.msk [tilespmem:v22+s8+$0x0], $0xffff  }
0x80: {  	v33 =	vadd.s32 $0x1776, v0;
	v13 =	vadd.s32 $0xFA4, v15;
	v12 =	vadd.s32 $0xFA4, v18;
	v32 =	vld.idx.msk [tilespmem:v15+s8+$0x0], $0xffff  }
0x81: {  	s19 =	sadd.s32 $0x40, s19;
	s18 =	sadd.s32 $0x200, s18;
	v36 =	vadd.s32 $0x3E9, v22;
	v34 =	vadd.s32 $0x138D, v15;
	v11 =	vadd.s32 $0xFA4, v21;
	v35 =	vld.idx.msk [tilespmem:v18+s8+$0x0], $0xffff;
	[tilespmem:s16+$0x200] =	vst v20  }
0x82: {  	s22 =	sadd.s32 $0x30, s19;
	s21 =	sadd.s32 $0x10, s19;
	s20 =	sand.u32 $0x3C00, s18;
	v37 =	vadd.s32 $0x138D, v18;
	v39 =	vadd.s32 $0x138D, v21;
	v20 =	vadd.s32 $0x1776, v15;
	v38 =	vld.idx.msk [tilespmem:v21+s8+$0x0], $0xffff;
	[tilespmem:s15+$0x200] =	vst v16  }
0x83: {  	s22 =	sand.u32 $0x70, s22;
	s25 =	sadd.s32 $0x2F80, s20;
	s20 =	sadd.s32 $0x20, s19;
	v40 =	vadd.s32 $0x1776, v21;
	v16 =	vadd.s32 $0x1B5F, v15;
	v15 =	vadd.s32 $0x1776, v18;
	v41 =	vld.idx.msk [tilespmem:v8+s8+$0x0], $0xffff;
	[tilespmem:s14+$0x200] =	vst v25;
	v8 =	vmovc v34  }
0x84: {  	s21 =	sand.u32 $0x50, s21;
	s20 =	sand.u32 $0x60, s20;
	s26 =	sor.u32 s22, s25;
	v25 =	vadd.s32 $0x1B5F, v18;
	v18 =	vadd.s32 $0x1B5F, v21;
	v21 =	vld.idx.msk [tilespmem:v9+s8+$0x0], $0xffff;
	[tilespmem:s17+$0x280] =	vst v19;
	v9 =	vmov v37  }
0x85: {  	s22 =	sand.u32 $0x40, s19;
	s21 =	sor.u32 s21, s25;
	s20 =	sor.u32 s20, s25;
	[tilespmem:s26+$0x0] =	vst v31;
	v19 =	vld.idx.msk [tilespmem:v33+s8+$0x0], $0xffff  }
0x86: {  	s22 =	sor.u32 s22, s25;
	v31 =	vld.idx.msk [tilespmem:v36+s8+$0x0], $0xffff  }
0x87: {  	v33 =	vadd.s32 $0x1B5F, v0;
	v0 =	vmov v22;
	[tilespmem:s22+$0x0] =	vst v32;
	v32 =	vld.idx.msk [tilespmem:v10+s8+$0x0], $0xffff;
	v10 =	vmov v39  }
0x88: {  	v22 =	vadd.s32 $0x7D2, v0;
	v14 =	vld.idx.msk [tilespmem:v14+s8+$0x0], $0xffff;
	[tilespmem:s21+$0x0] =	vst v35  }
0x89: {  	v17 =	vld.idx.msk [tilespmem:v17+s8+$0x0], $0xffff;
	[tilespmem:s20+$0x0] =	vst v38  }
0x8a: {  	v28 =	vld.idx.msk [tilespmem:v28+s8+$0x0], $0xffff;
	[tilespmem:s16+$0x280] =	vst v41  }
0x8b: {  	v34 =	vld.idx.msk [tilespmem:v5+s8+$0x0], $0xffff;
	[tilespmem:s17+$0x300] =	vst v19;
	v5 =	vmov v20  }
0x8c: {  	[tilespmem:s26+$0x80] =	vst v31;
	v19 =	vld.idx.msk [tilespmem:v33+s8+$0x0], $0xffff  }
0x8d: {  	v20 =	vld.idx.msk [tilespmem:v22+s8+$0x0], $0xffff;
	[tilespmem:s15+$0x280] =	vst v21  }
0x8e: {  	[tilespmem:s22+$0x80] =	vst v14;
	v22 =	vld.idx.msk [tilespmem:v7+s8+$0x0], $0xffff;
	v7 =	vmov v15  }
0x8f: {  	v15 =	vld.idx.msk [tilespmem:v23+s8+$0x0], $0xffff;
	[tilespmem:s21+$0x80] =	vst v17;
	v17 =	vadd.s32 $0xBBB, v0  }
0x90: {  	v21 =	vld.idx.msk [tilespmem:v26+s8+$0x0], $0xffff;
	[tilespmem:s20+$0x80] =	vst v28  }
0x91: {  	v23 =	vld.idx.msk [tilespmem:v29+s8+$0x0], $0xffff;
	[tilespmem:s14+$0x280] =	vst v32  }
0x92: {  	v26 =	vld.idx.msk [tilespmem:v6+s8+$0x0], $0xffff;
	[tilespmem:s17+$0x380] =	vst v19;
	v6 =	vmov v40;
	s17 =	smov.u32 s26  }
0x93: {  	[tilespmem:s17+$0x100] =	vst v20;
	v14 =	vld.idx.msk [tilespmem:v1+s8+$0x0], $0xffff;
	v1 =	vmov v2;
	v2 =	vmov v18  }
0x94: {  	v17 =	vld.idx.msk [tilespmem:v17+s8+$0x0], $0xffff;
	[tilespmem:s16+$0x300] =	vst v34  }
.Ltmp0:
0x95: {  	[tilespmem:s22+$0x100] =	vst v15;
	v15 =	vld.idx.msk [tilespmem:v3+s8+$0x0], $0xffff;
	v3 =	vmov v16;
	(pc) =	sbr.rel @p0 .LBB2_2-.Ltmp0, $4  }
0x96: {  	v18 =	vld.idx.msk [tilespmem:v24+s8+$0x0], $0xffff;
	[tilespmem:s21+$0x100] =	vst v21;
	v21 =	vadd.s32 $0xFA4, v0  }
0x97: {  	v19 =	vld.idx.msk [tilespmem:v27+s8+$0x0], $0xffff;
	[tilespmem:s20+$0x100] =	vst v23  }
0x98: {  	v20 =	vld.idx.msk [tilespmem:v30+s8+$0x0], $0xffff;
	[tilespmem:s15+$0x300] =	vst v22  }
0x99: {  	s24 =	sadd.s32 $0x40, s24;
	v16 =	vld.idx.msk [tilespmem:v4+s8+$0x0], $0xffff;
	[tilespmem:s14+$0x300] =	vst v26;
	v4 =	vmov v25  }
0x9a: {  	_ =	sdelay $0x2  }
0x9b: {  	[tilespmem:s17+$0x180] =	vst v17  }
0x9c: {  	v17 =	vld.idx.msk [tilespmem:v21+s8+$0x0], $0xffff;
	[tilespmem:s22+$0x180] =	vst v18  }
0x9d: {  	v18 =	vadd.s32 $0x138D, v0;
	[tilespmem:s21+$0x180] =	vst v19;
	v13 =	vld.idx.msk [tilespmem:v13+s8+$0x0], $0xffff  }
0x9e: {  	v12 =	vld.idx.msk [tilespmem:v12+s8+$0x0], $0xffff;
	[tilespmem:s20+$0x180] =	vst v20  }
0x9f: {  	v11 =	vld.idx.msk [tilespmem:v11+s8+$0x0], $0xffff;
	_ =	sdelay $0x1  }
0xa0: {  	[tilespmem:s17+$0x200] =	vst v17  }
0xa1: {  	v17 =	vld.idx.msk [tilespmem:v18+s8+$0x0], $0xffff;
	[tilespmem:s22+$0x200] =	vst v13  }
0xa2: {  	v13 =	vadd.s32 $0x1776, v0;
	[tilespmem:s21+$0x200] =	vst v12;
	v8 =	vld.idx.msk [tilespmem:v8+s8+$0x0], $0xffff  }
0xa3: {  	v9 =	vld.idx.msk [tilespmem:v9+s8+$0x0], $0xffff;
	[tilespmem:s20+$0x200] =	vst v11  }
0xa4: {  	v10 =	vld.idx.msk [tilespmem:v10+s8+$0x0], $0xffff;
	_ =	sdelay $0x1  }
0xa5: {  	[tilespmem:s17+$0x280] =	vst v17  }
0xa6: {  	v11 =	vld.idx.msk [tilespmem:v13+s8+$0x0], $0xffff;
	[tilespmem:s22+$0x280] =	vst v8  }
0xa7: {  	v0 =	vadd.s32 $0x1B5F, v0;
	v5 =	vld.idx.msk [tilespmem:v5+s8+$0x0], $0xffff;
	[tilespmem:s21+$0x280] =	vst v9  }
0xa8: {  	v7 =	vld.idx.msk [tilespmem:v7+s8+$0x0], $0xffff;
	[tilespmem:s20+$0x280] =	vst v10  }
0xa9: {  	[tilespmem:s16+$0x380] =	vst v15;
	v6 =	vld.idx.msk [tilespmem:v6+s8+$0x0], $0xffff  }
0xaa: {  	[tilespmem:s13+$0x380] =	vst v14  }
0xab: {  	v1 =	vld.idx.msk [tilespmem:v1+s8+$0x0], $0xffff;
	[tilespmem:s17+$0x300] =	vst v11  }
0xac: {  	v0 =	vld.idx.msk [tilespmem:v0+s8+$0x0], $0xffff;
	[tilespmem:s22+$0x300] =	vst v5  }
0xad: {  	v3 =	vld.idx.msk [tilespmem:v3+s8+$0x0], $0xffff;
	[tilespmem:s21+$0x300] =	vst v7  }
0xae: {  	v4 =	vld.idx.msk [tilespmem:v4+s8+$0x0], $0xffff;
	[tilespmem:s20+$0x300] =	vst v6  }
0xaf: {  	[tilespmem:s15+$0x380] =	vst v16;
	v2 =	vld.idx.msk [tilespmem:v2+s8+$0x0], $0xffff  }
0xb0: {  	[tilespmem:s14+$0x380] =	vst v1  }
0xb1: {  	[tilespmem:s17+$0x380] =	vst v0  }
0xb2: {  	[tilespmem:s22+$0x380] =	vst v3  }
0xb3: {  	[tilespmem:s21+$0x380] =	vst v4  }
0xb4: {  	s22 =	simm.s32 $0x830;
	[tilespmem:s20+$0x380] =	vst v2  }
0xb5: {  	[hbm4b:s3+s2] =	stream.linear.scatter [tilespmem:s10], [sflag:$0x1], $0x4000, $0x38;
	[tilespmem:$0xAF80] =	vst v63  }
0xb6: {  	v7 =	vld [tilespmem:s22+$0x0]  }
0xb7: {  	v6 =	vld [tilespmem:s22+$0xFFFFFFD0];
	_ =	sdelay $0x1  }
0xb8: {  	v0 =	vld [tilespmem:s22+$0xFFFFFFE0];
	_ =	sdelay $0x1  }
0xb9: {  	v1 =	vld [tilespmem:s22+$0xFFFFFFF0];
	_ =	sdelay $0x2  }
0xba: {  	v2 =	vld.idx.msk [tilespmem:v7+s8+$0x0], $0xffff  }
0xbb: {  	s23 =	simm.s32 $0x4000;
	v3 =	vadd.s32 $0x3E9, v7;
	v4 =	vld.idx.msk [tilespmem:v6+s8+$0x0], $0xffff  }
0xbc: {  	s24 =	simm.s32 $0x830;
	s13 =	sand.u32 $0x7C00, s23;
	v5 =	vadd.s32 $0x3E9, v6  }
0xbd: {  	s25 =	simm.s32 $0x800;
	s13 =	sadd.s32 $0x2F80, s13;
	s14 =	sand.u32 $0x70, s24;
	v8 =	vld.idx.msk [tilespmem:v0+s8+$0x0], $0xffff  }
0xbe: {  	s15 =	sand.u32 $0x40, s25;
	s26 =	sor.u32 s14, s13;
	v9 =	vadd.s32 $0x3E9, v0  }
0xbf: {  	s28 =	simm.s32 $0x810;
	s19 =	sor.u32 s15, s13;
	v10 =	vld.idx.msk [tilespmem:v1+s8+$0x0], $0xffff;
	[tilespmem:s26+$0x0] =	vst v2  }
0xc0: {  	s14 =	sand.u32 $0x50, s28;
	v11 =	vadd.s32 $0x3E9, v1;
	[tilespmem:s19+$0x0] =	vst v4;
	v2 =	vld.idx.msk [tilespmem:v3+s8+$0x0], $0xffff  }
0xc1: {  	s29 =	simm.s32 $0x820;
	s18 =	sor.u32 s14, s13;
	v3 =	vadd.s32 $0x7D2, v7;
	v4 =	vld.idx.msk [tilespmem:v5+s8+$0x0], $0xffff  }
0xc2: {  	s30 =	sand.u32 $0x60, s29;
	[tilespmem:s18+$0x0] =	vst v8;
	v5 =	vadd.s32 $0x7D2, v6  }
0xc3: {  	s13 =	sor.u32 s30, s13;
	v8 =	vld.idx.msk [tilespmem:v9+s8+$0x0], $0xffff  }
0xc4: {  	[tilespmem:s13+$0x0] =	vst v10;
	v9 =	vadd.s32 $0x7D2, v0  }
0xc5: {  	v10 =	vld.idx.msk [tilespmem:v11+s8+$0x0], $0xffff;
	[tilespmem:s26+$0x80] =	vst v2  }
0xc6: {  	v11 =	vadd.s32 $0x7D2, v1;
	[tilespmem:s19+$0x80] =	vst v4;
	v2 =	vld.idx.msk [tilespmem:v3+s8+$0x0], $0xffff  }
0xc7: {  	s24 =	simm.s32 $0x8B0;
	v4 =	vld.idx.msk [tilespmem:v5+s8+$0x0], $0xffff  }
0xc8: {  	v21 =	vld [tilespmem:s24+$0xFFFFFFE0];
	[tilespmem:s18+$0x80] =	vst v8;
	v3 =	vadd.s32 $0xBBB, v7  }
0xc9: {  	v5 =	vadd.s32 $0xBBB, v6;
	v8 =	vld.idx.msk [tilespmem:v9+s8+$0x0], $0xffff  }
0xca: {  	v22 =	vld [tilespmem:s24+$0xFFFFFFF0];
	[tilespmem:s13+$0x80] =	vst v10;
	v9 =	vadd.s32 $0xBBB, v0  }
0xcb: {  	s31 =	simm.s32 $0x870;
	v10 =	vld.idx.msk [tilespmem:v11+s8+$0x0], $0xffff;
	[tilespmem:s26+$0x100] =	vst v2  }
0xcc: {  	v11 =	vadd.s32 $0xBBB, v1;
	[tilespmem:s19+$0x100] =	vst v4;
	v4 =	vld [tilespmem:s31+$0xFFFFFFD0]  }
0xcd: {  	v2 =	vld.idx.msk [tilespmem:v3+s8+$0x0], $0xffff  }
0xce: {  	[tilespmem:s18+$0x100] =	vst v8;
	v3 =	vadd.s32 $0xFA4, v7;
	v12 =	vld.idx.msk [tilespmem:v5+s8+$0x0], $0xffff  }
0xcf: {  	v8 =	vld.idx.msk [tilespmem:v9+s8+$0x0], $0xffff  }
0xd0: {  	[tilespmem:s13+$0x100] =	vst v10;
	v10 =	vadd.s32 $0xFA4, v6;
	v5 =	vld [tilespmem:s31+$0x0]  }
0xd1: {  	v9 =	vld.idx.msk [tilespmem:v11+s8+$0x0], $0xffff;
	v11 =	vadd.s32 $0xFA4, v0  }
0xd2: {  	v14 =	vadd.s32 $0xFA4, v1;
	[tilespmem:s26+$0x180] =	vst v2;
	v2 =	vld [tilespmem:s31+$0xFFFFFFE0]  }
0xd3: {  	v13 =	vld.idx.msk [tilespmem:v3+s8+$0x0], $0xffff  }
0xd4: {  	v15 =	vadd.s32 $0x138D, v7;
	[tilespmem:s19+$0x180] =	vst v12;
	v3 =	vld [tilespmem:s31+$0xFFFFFFF0]  }
0xd5: {  	[tilespmem:s18+$0x180] =	vst v8;
	v8 =	vld.idx.msk [tilespmem:v10+s8+$0x0], $0xffff  }
0xd6: {  	[tilespmem:s13+$0x180] =	vst v9;
	v9 =	vld.idx.msk [tilespmem:v11+s8+$0x0], $0xffff;
	v11 =	vadd.s32 $0x138D, v6  }
0xd7: {  	v10 =	vld.idx.msk [tilespmem:v14+s8+$0x0], $0xffff  }
0xd8: {  	v14 =	vld.idx.msk [tilespmem:v5+s8+$0x0], $0xffff;
	[tilespmem:s26+$0x200] =	vst v13  }
0xd9: {  	s15 =	simm.s32 $0x4200;
	v18 =	vadd.s32 $0x3E9, v5;
	v12 =	vld.idx.msk [tilespmem:v15+s8+$0x0], $0xffff  }
0xda: {  	s16 =	simm.s32 $0x870;
	s14 =	sand.u32 $0x7C00, s15;
	v13 =	vadd.s32 $0x138D, v0;
	[tilespmem:s19+$0x200] =	vst v8;
	v15 =	vld.idx.msk [tilespmem:v4+s8+$0x0], $0xffff  }
0xdb: {  	s15 =	sand.u32 $0x70, s16;
	s14 =	sadd.s32 $0x2F80, s14;
	v19 =	vadd.s32 $0x138D, v1;
	[tilespmem:s18+$0x200] =	vst v9;
	v9 =	vld.idx.msk [tilespmem:v11+s8+$0x0], $0xffff  }
0xdc: {  	s23 =	sor.u32 s15, s14;
	v16 =	vadd.s32 $0x1776, v7;
	v17 =	vld.idx.msk [tilespmem:v2+s8+$0x0], $0xffff  }
0xdd: {  	s20 =	simm.s32 $0x840;
	v20 =	vadd.s32 $0x3E9, v4;
	[tilespmem:s23+$0x0] =	vst v14;
	v8 =	vld.idx.msk [tilespmem:v3+s8+$0x0], $0xffff  }
0xde: {  	s16 =	sand.u32 $0x40, s20;
	[tilespmem:s13+$0x200] =	vst v10;
	v10 =	vld.idx.msk [tilespmem:v18+s8+$0x0], $0xffff  }
0xdf: {  	s16 =	sor.u32 s16, s14;
	v11 =	vadd.s32 $0x3E9, v2;
	v13 =	vld.idx.msk [tilespmem:v13+s8+$0x0], $0xffff;
	[tilespmem:s26+$0x280] =	vst v12  }
0xe0: {  	s21 =	simm.s32 $0x850;
	v12 =	vadd.s32 $0x3E9, v3;
	[tilespmem:s16+$0x0] =	vst v15;
	v15 =	vld.idx.msk [tilespmem:v19+s8+$0x0], $0xffff  }
0xe1: {  	s15 =	sand.u32 $0x50, s21;
	s22 =	simm.s32 $0x860;
	v19 =	vadd.s32 $0x1776, v0;
	v14 =	vld.idx.msk [tilespmem:v16+s8+$0x0], $0xffff  }
0xe2: {  	s15 =	sor.u32 s15, s14;
	s20 =	sand.u32 $0x60, s22;
	[tilespmem:s19+$0x280] =	vst v9;
	v16 =	vadd.s32 $0x1776, v6;
	v18 =	vld.idx.msk [tilespmem:v20+s8+$0x0], $0xffff  }
0xe3: {  	s14 =	sor.u32 s20, s14;
	[tilespmem:s15+$0x0] =	vst v17;
	v17 =	vadd.s32 $0x7D2, v5;
	v20 =	vld [tilespmem:s24+$0xFFFFFFD0]  }
0xe4: {  	v11 =	vld.idx.msk [tilespmem:v11+s8+$0x0], $0xffff;
	[tilespmem:s14+$0x0] =	vst v8;
	v8 =	vadd.s32 $0x7D2, v4  }
0xe5: {  	v9 =	vadd.s32 $0x7D2, v2;
	[tilespmem:s18+$0x280] =	vst v13;
	v12 =	vld.idx.msk [tilespmem:v12+s8+$0x0], $0xffff  }
0xe6: {  	[tilespmem:s23+$0x80] =	vst v10;
	v10 =	vadd.s32 $0x1776, v1;
	v13 =	vld.idx.msk [tilespmem:v19+s8+$0x0], $0xffff  }
0xe7: {  	v16 =	vld.idx.msk [tilespmem:v16+s8+$0x0], $0xffff;
	[tilespmem:s26+$0x300] =	vst v14;
	v14 =	vadd.s32 $0x7D2, v3  }
0xe8: {  	v0 =	vadd.s32 $0x1B5F, v0;
	v17 =	vld.idx.msk [tilespmem:v17+s8+$0x0], $0xffff;
	[tilespmem:s16+$0x80] =	vst v18  }
0xe9: {  	v18 =	vadd.s32 $0xBBB, v5;
	v8 =	vld.idx.msk [tilespmem:v8+s8+$0x0], $0xffff;
	[tilespmem:s15+$0x80] =	vst v11  }
0xea: {  	[tilespmem:s13+$0x280] =	vst v15;
	v9 =	vld.idx.msk [tilespmem:v9+s8+$0x0], $0xffff  }
0xeb: {  	v6 =	vadd.s32 $0x1B5F, v6;
	v10 =	vld.idx.msk [tilespmem:v10+s8+$0x0], $0xffff;
	[tilespmem:s14+$0x80] =	vst v12  }
0xec: {  	v11 =	vadd.s32 $0xBBB, v4;
	[tilespmem:s18+$0x300] =	vst v13;
	v14 =	vld.idx.msk [tilespmem:v14+s8+$0x0], $0xffff  }
0xed: {  	v12 =	vadd.s32 $0xBBB, v2;
	[tilespmem:s23+$0x100] =	vst v17;
	v13 =	vld.idx.msk [tilespmem:v0+s8+$0x0], $0xffff  }
0xee: {  	v15 =	vadd.s32 $0xBBB, v3;
	[tilespmem:s19+$0x300] =	vst v16;
	v17 =	vld.idx.msk [tilespmem:v18+s8+$0x0], $0xffff  }
0xef: {  	v0 =	vld [tilespmem:s24+$0x0];
	[tilespmem:s15+$0x100] =	vst v9;
	v9 =	vadd.s32 $0xFA4, v5  }
0xf0: {  	v7 =	vadd.s32 $0x1B5F, v7;
	[tilespmem:s16+$0x100] =	vst v8;
	v6 =	vld.idx.msk [tilespmem:v6+s8+$0x0], $0xffff  }
0xf1: {  	v8 =	vld.idx.msk [tilespmem:v11+s8+$0x0], $0xffff  }
0xf2: {  	v11 =	vld.idx.msk [tilespmem:v12+s8+$0x0], $0xffff;
	[tilespmem:s14+$0x100] =	vst v14  }
0xf3: {  	v14 =	vadd.s32 $0xFA4, v4;
	v12 =	vld.idx.msk [tilespmem:v15+s8+$0x0], $0xffff;
	[tilespmem:s23+$0x180] =	vst v17  }
0xf4: {  	[tilespmem:s13+$0x300] =	vst v10;
	v15 =	vadd.s32 $0xFA4, v2;
	v9 =	vld.idx.msk [tilespmem:v9+s8+$0x0], $0xffff  }
0xf5: {  	v7 =	vld.idx.msk [tilespmem:v7+s8+$0x0], $0xffff;
	[tilespmem:s18+$0x380] =	vst v13  }
0xf6: {  	v16 =	vadd.s32 $0xFA4, v3;
	v13 =	vld.idx.msk [tilespmem:v21+s8+$0x0], $0xffff;
	[tilespmem:s19+$0x380] =	vst v6  }
0xf7: {  	v17 =	vadd.s32 $0x138D, v5;
	v6 =	vld.idx.msk [tilespmem:v20+s8+$0x0], $0xffff;
	[tilespmem:s16+$0x180] =	vst v8  }
0xf8: {  	s18 =	simm.s32 $0x4400;
	[tilespmem:s15+$0x180] =	vst v11;
	v8 =	vld.idx.msk [tilespmem:v14+s8+$0x0], $0xffff  }
0xf9: {  	s25 =	sand.u32 $0x7C00, s18;
	s19 =	simm.s32 $0x880;
	v11 =	vld.idx.msk [tilespmem:v15+s8+$0x0], $0xffff;
	[tilespmem:s23+$0x200] =	vst v9;
	v9 =	vadd.s32 $0x138D, v4  }
0xfa: {  	s28 =	sadd.s32 $0x2F80, s25;
	s31 =	sand.u32 $0x40, s19;
	v10 =	vld.idx.msk [tilespmem:v0+s8+$0x0], $0xffff;
	v14 =	vadd.s32 $0x138D, v2;
	[tilespmem:s14+$0x180] =	vst v12  }
0xfb: {  	[tilespmem:s26+$0x380] =	vst v7;
	s22 =	sor.u32 s31, s28;
	v12 =	vld.idx.msk [tilespmem:v16+s8+$0x0], $0xffff;
	v16 =	vadd.s32 $0x3E9, v0  }
0xfc: {  	s26 =	simm.s32 $0x8B0;
	v18 =	vadd.s32 $0x3E9, v20;
	[tilespmem:s22+$0x0] =	vst v6;
	v7 =	vld.idx.msk [tilespmem:v17+s8+$0x0], $0xffff  }
0xfd: {  	s29 =	sand.u32 $0x70, s26;
	v17 =	vadd.s32 $0x138D, v3;
	[tilespmem:s16+$0x200] =	vst v8;
	v8 =	vld.idx.msk [tilespmem:v22+s8+$0x0], $0xffff  }
0xfe: {  	s17 =	sor.u32 s29, s28;
	v15 =	vadd.s32 $0x1776, v5;
	[tilespmem:s15+$0x200] =	vst v11;
	v9 =	vld.idx.msk [tilespmem:v9+s8+$0x0], $0xffff  }
0xff: {  	s30 =	simm.s32 $0x890;
	[tilespmem:s17+$0x0] =	vst v10;
	v11 =	vadd.s32 $0x3E9, v21;
	v14 =	vld.idx.msk [tilespmem:v14+s8+$0x0], $0xffff  }
0x100: {  	s21 =	sand.u32 $0x50, s30;
	v1 =	vadd.s32 $0x1B5F, v1;
	[tilespmem:s14+$0x200] =	vst v12;
	v12 =	vld.idx.msk [tilespmem:v16+s8+$0x0], $0xffff  }
0x101: {  	s24 =	simm.s32 $0x8A0;
	s21 =	sor.u32 s21, s28;
	v16 =	vld.idx.msk [tilespmem:v18+s8+$0x0], $0xffff;
	[tilespmem:s23+$0x280] =	vst v7;
	v7 =	vadd.s32 $0x3E9, v22  }
0x102: {  	s24 =	sand.u32 $0x60, s24;
	[tilespmem:s21+$0x0] =	vst v13;
	v13 =	vadd.s32 $0x7D2, v0;
	v6 =	vld.idx.msk [tilespmem:v17+s8+$0x0], $0xffff  }
0x103: {  	s20 =	sor.u32 s24, s28;
	v17 =	vadd.s32 $0x1776, v2;
	v10 =	vld.idx.msk [tilespmem:v15+s8+$0x0], $0xffff  }
0x104: {  	v15 =	vadd.s32 $0x1776, v4;
	[tilespmem:s20+$0x0] =	vst v8;
	v11 =	vld.idx.msk [tilespmem:v11+s8+$0x0], $0xffff  }
0x105: {  	v5 =	vadd.s32 $0x1B5F, v5;
	[tilespmem:s15+$0x280] =	vst v14;
	v14 =	vld.idx.msk [tilespmem:v1+s8+$0x0], $0xffff  }
0x106: {  	v8 =	vadd.s32 $0x7D2, v20;
	[tilespmem:s17+$0x80] =	vst v12;
	v7 =	vld.idx.msk [tilespmem:v7+s8+$0x0], $0xffff  }
0x107: {  	[tilespmem:s16+$0x280] =	vst v9;
	v9 =	vadd.s32 $0x7D2, v21;
	v13 =	vld.idx.msk [tilespmem:v13+s8+$0x0], $0xffff  }
0x108: {  	v12 =	vadd.s32 $0x1776, v3;
	[tilespmem:s22+$0x80] =	vst v16;
	v16 =	vld.idx.msk [tilespmem:v17+s8+$0x0], $0xffff  }
0x109: {  	v15 =	vld.idx.msk [tilespmem:v15+s8+$0x0], $0xffff;
	[tilespmem:s23+$0x300] =	vst v10;
	v10 =	vadd.s32 $0x7D2, v22  }
0x10a: {  	v4 =	vadd.s32 $0x1B5F, v4;
	[tilespmem:s14+$0x280] =	vst v6;
	v5 =	vld.idx.msk [tilespmem:v5+s8+$0x0], $0xffff  }
0x10b: {  	v8 =	vld.idx.msk [tilespmem:v8+s8+$0x0], $0xffff;
	[tilespmem:s21+$0x80] =	vst v11;
	v11 =	vadd.s32 $0xBBB, v0  }
0x10c: {  	v9 =	vld.idx.msk [tilespmem:v9+s8+$0x0], $0xffff;
	[tilespmem:s20+$0x80] =	vst v7;
	v7 =	vadd.s32 $0xBBB, v20  }
0x10d: {  	v26 =	vadd.s32 $0x1B5F, v2;
	v24 =	vld.idx.msk [tilespmem:v12+s8+$0x0], $0xffff;
	[tilespmem:s17+$0x100] =	vst v13  }
0x10e: {  	v6 =	vadd.s32 $0xBBB, v21;
	v23 =	vld.idx.msk [tilespmem:v10+s8+$0x0], $0xffff;
	[tilespmem:s16+$0x300] =	vst v15  }
0x10f: {  	v25 =	vadd.s32 $0xBBB, v22;
	[tilespmem:s15+$0x300] =	vst v16;
	v15 =	vld.idx.msk [tilespmem:v4+s8+$0x0], $0xffff  }
0x110: {  	v12 =	vadd.s32 $0xFA4, v21;
	[tilespmem:s22+$0x100] =	vst v8;
	v4 =	vadd.s32 $0x1B5F, v21;
	v17 =	vld.idx.msk [tilespmem:v11+s8+$0x0], $0xffff  }
0x111: {  	[tilespmem:s21+$0x100] =	vst v9;
	v9 =	vadd.s32 $0x138D, v21;
	v18 =	vld.idx.msk [tilespmem:v7+s8+$0x0], $0xffff;
	v7 =	vadd.s32 $0x1776, v21;
	v21 =	vadd.s32 $0xFA4, v0  }
0x112: {  	v2 =	vadd.s32 $0x1B5F, v22;
	v1 =	vadd.s32 $0x1B5F, v3;
	v3 =	vadd.s32 $0x1B5F, v20;
	v16 =	vld.idx.msk [tilespmem:v26+s8+$0x0], $0xffff;
	[tilespmem:s23+$0x380] =	vst v5  }
0x113: {  	v13 =	vadd.s32 $0xFA4, v20;
	v10 =	vadd.s32 $0x138D, v22;
	v8 =	vadd.s32 $0x138D, v20;
	v19 =	vld.idx.msk [tilespmem:v6+s8+$0x0], $0xffff;
	[tilespmem:s20+$0x100] =	vst v23  }
0x114: {  	s24 =	simm.s32 $0x8F0;
	v5 =	vadd.s32 $0x1776, v20;
	s23 =	simm.s32 $0x88;
	v11 =	vadd.s32 $0xFA4, v22;
	[tilespmem:s14+$0x300] =	vst v24;
	v6 =	vadd.s32 $0x1776, v22;
	v20 =	vld.idx.msk [tilespmem:v25+s8+$0x0], $0xffff  }
.LBB2_4:
0x115: {  	v22 =	vld [tilespmem:s24+$0x0];
	[tilespmem:s17+$0x180] =	vst v17  }
0x116: {  	s23 =	sadd.s32 $0x4, s23;
	v17 =	vld.idx.msk [tilespmem:v21+s8+$0x0], $0xffff;
	[tilespmem:s16+$0x380] =	vst v15;
	s16 =	smov.u32 s22  }
0x117: {  	p0 =	slt.u32 s23, $0xFC;
	v15 =	vld [tilespmem:s24+$0xFFFFFFD0];
	[tilespmem:s16+$0x180] =	vst v18  }
0x118: {  	v18 =	vld [tilespmem:s24+$0xFFFFFFE0];
	[tilespmem:s21+$0x180] =	vst v19;
	v19 =	vadd.s32 $0x138D, v0  }
0x119: {  	v21 =	vld [tilespmem:s24+$0xFFFFFFF0];
	[tilespmem:s20+$0x180] =	vst v20  }
0x11a: {  	v20 =	vld.idx.msk [tilespmem:v13+s8+$0x0], $0xffff;
	[tilespmem:s15+$0x380] =	vst v16;
	s15 =	smov.u32 s21  }
0x11b: {  	v16 =	vld.idx.msk [tilespmem:v12+s8+$0x0], $0xffff;
	[tilespmem:s13+$0x380] =	vst v14;
	s13 =	smov.u32 s14;
	s14 =	smov.u32 s20  }
0x11c: {  	v14 =	vadd.s32 $0x3E9, v15;
	v23 =	vadd.s32 $0x7D2, v15;
	v24 =	vadd.s32 $0xBBB, v15;
	v25 =	vld.idx.msk [tilespmem:v11+s8+$0x0], $0xffff;
	[tilespmem:s17+$0x200] =	vst v17  }
0x11d: {  	v17 =	vadd.s32 $0x3E9, v18;
	v26 =	vadd.s32 $0x7D2, v18;
	v27 =	vadd.s32 $0xBBB, v18;
	v19 =	vld.idx.msk [tilespmem:v19+s8+$0x0], $0xffff  }
0x11e: {  	v28 =	vadd.s32 $0x3E9, v21;
	v29 =	vadd.s32 $0x7D2, v21;
	v30 =	vadd.s32 $0xBBB, v21;
	v31 =	vld.idx.msk [tilespmem:v22+s8+$0x0], $0xffff  }
0x11f: {  	v33 =	vadd.s32 $0x1776, v0;
	v13 =	vadd.s32 $0xFA4, v15;
	v12 =	vadd.s32 $0xFA4, v18;
	v32 =	vld.idx.msk [tilespmem:v15+s8+$0x0], $0xffff  }
0x120: {  	s19 =	sadd.s32 $0x40, s19;
	s18 =	sadd.s32 $0x200, s18;
	v36 =	vadd.s32 $0x3E9, v22;
	v34 =	vadd.s32 $0x138D, v15;
	v11 =	vadd.s32 $0xFA4, v21;
	v35 =	vld.idx.msk [tilespmem:v18+s8+$0x0], $0xffff;
	[tilespmem:s16+$0x200] =	vst v20  }
0x121: {  	s22 =	sadd.s32 $0x30, s19;
	s21 =	sadd.s32 $0x10, s19;
	s20 =	sand.u32 $0x7C00, s18;
	v37 =	vadd.s32 $0x138D, v18;
	v39 =	vadd.s32 $0x138D, v21;
	v20 =	vadd.s32 $0x1776, v15;
	v38 =	vld.idx.msk [tilespmem:v21+s8+$0x0], $0xffff;
	[tilespmem:s15+$0x200] =	vst v16  }
0x122: {  	s22 =	sand.u32 $0x70, s22;
	s25 =	sadd.s32 $0x2F80, s20;
	s20 =	sadd.s32 $0x20, s19;
	v40 =	vadd.s32 $0x1776, v21;
	v16 =	vadd.s32 $0x1B5F, v15;
	v15 =	vadd.s32 $0x1776, v18;
	v41 =	vld.idx.msk [tilespmem:v8+s8+$0x0], $0xffff;
	[tilespmem:s14+$0x200] =	vst v25;
	v8 =	vmovc v34  }
0x123: {  	s21 =	sand.u32 $0x50, s21;
	s20 =	sand.u32 $0x60, s20;
	s26 =	sor.u32 s22, s25;
	v25 =	vadd.s32 $0x1B5F, v18;
	v18 =	vadd.s32 $0x1B5F, v21;
	v21 =	vld.idx.msk [tilespmem:v9+s8+$0x0], $0xffff;
	[tilespmem:s17+$0x280] =	vst v19;
	v9 =	vmov v37  }
0x124: {  	s22 =	sand.u32 $0x40, s19;
	s21 =	sor.u32 s21, s25;
	s20 =	sor.u32 s20, s25;
	[tilespmem:s26+$0x0] =	vst v31;
	v19 =	vld.idx.msk [tilespmem:v33+s8+$0x0], $0xffff  }
0x125: {  	s22 =	sor.u32 s22, s25;
	v31 =	vld.idx.msk [tilespmem:v36+s8+$0x0], $0xffff  }
0x126: {  	v33 =	vadd.s32 $0x1B5F, v0;
	v0 =	vmov v22;
	[tilespmem:s22+$0x0] =	vst v32;
	v32 =	vld.idx.msk [tilespmem:v10+s8+$0x0], $0xffff;
	v10 =	vmov v39  }
0x127: {  	v22 =	vadd.s32 $0x7D2, v0;
	v14 =	vld.idx.msk [tilespmem:v14+s8+$0x0], $0xffff;
	[tilespmem:s21+$0x0] =	vst v35  }
0x128: {  	v17 =	vld.idx.msk [tilespmem:v17+s8+$0x0], $0xffff;
	[tilespmem:s20+$0x0] =	vst v38  }
0x129: {  	v28 =	vld.idx.msk [tilespmem:v28+s8+$0x0], $0xffff;
	[tilespmem:s16+$0x280] =	vst v41  }
0x12a: {  	v34 =	vld.idx.msk [tilespmem:v5+s8+$0x0], $0xffff;
	[tilespmem:s17+$0x300] =	vst v19;
	v5 =	vmov v20  }
0x12b: {  	[tilespmem:s26+$0x80] =	vst v31;
	v19 =	vld.idx.msk [tilespmem:v33+s8+$0x0], $0xffff  }
0x12c: {  	v20 =	vld.idx.msk [tilespmem:v22+s8+$0x0], $0xffff;
	[tilespmem:s15+$0x280] =	vst v21  }
0x12d: {  	[tilespmem:s22+$0x80] =	vst v14;
	v22 =	vld.idx.msk [tilespmem:v7+s8+$0x0], $0xffff;
	v7 =	vmov v15  }
0x12e: {  	v15 =	vld.idx.msk [tilespmem:v23+s8+$0x0], $0xffff;
	[tilespmem:s21+$0x80] =	vst v17;
	v17 =	vadd.s32 $0xBBB, v0  }
0x12f: {  	v21 =	vld.idx.msk [tilespmem:v26+s8+$0x0], $0xffff;
	[tilespmem:s20+$0x80] =	vst v28  }
0x130: {  	v23 =	vld.idx.msk [tilespmem:v29+s8+$0x0], $0xffff;
	[tilespmem:s14+$0x280] =	vst v32  }
0x131: {  	v26 =	vld.idx.msk [tilespmem:v6+s8+$0x0], $0xffff;
	[tilespmem:s17+$0x380] =	vst v19;
	v6 =	vmov v40;
	s17 =	smov.u32 s26  }
0x132: {  	[tilespmem:s17+$0x100] =	vst v20;
	v14 =	vld.idx.msk [tilespmem:v1+s8+$0x0], $0xffff;
	v1 =	vmov v2;
	v2 =	vmov v18  }
0x133: {  	v17 =	vld.idx.msk [tilespmem:v17+s8+$0x0], $0xffff;
	[tilespmem:s16+$0x300] =	vst v34  }
.Ltmp1:
0x134: {  	[tilespmem:s22+$0x100] =	vst v15;
	v15 =	vld.idx.msk [tilespmem:v3+s8+$0x0], $0xffff;
	v3 =	vmov v16;
	(pc) =	sbr.rel @p0 .LBB2_4-.Ltmp1, $4  }
0x135: {  	v18 =	vld.idx.msk [tilespmem:v24+s8+$0x0], $0xffff;
	[tilespmem:s21+$0x100] =	vst v21;
	v21 =	vadd.s32 $0xFA4, v0  }
0x136: {  	v19 =	vld.idx.msk [tilespmem:v27+s8+$0x0], $0xffff;
	[tilespmem:s20+$0x100] =	vst v23  }
0x137: {  	v20 =	vld.idx.msk [tilespmem:v30+s8+$0x0], $0xffff;
	[tilespmem:s15+$0x300] =	vst v22  }
0x138: {  	s24 =	sadd.s32 $0x40, s24;
	v16 =	vld.idx.msk [tilespmem:v4+s8+$0x0], $0xffff;
	[tilespmem:s14+$0x300] =	vst v26;
	v4 =	vmov v25  }
0x139: {  	_ =	sdelay $0x2  }
0x13a: {  	[tilespmem:s17+$0x180] =	vst v17  }
0x13b: {  	v17 =	vld.idx.msk [tilespmem:v21+s8+$0x0], $0xffff;
	[tilespmem:s22+$0x180] =	vst v18  }
0x13c: {  	v60 =	vadd.s32 $0x138D, v0;
	[tilespmem:s21+$0x180] =	vst v19;
	v13 =	vld.idx.msk [tilespmem:v13+s8+$0x0], $0xffff  }
0x13d: {  	v12 =	vld.idx.msk [tilespmem:v12+s8+$0x0], $0xffff;
	[tilespmem:s20+$0x180] =	vst v20  }
0x13e: {  	v11 =	vld.idx.msk [tilespmem:v11+s8+$0x0], $0xffff;
	_ =	sdelay $0x1  }
0x13f: {  	[tilespmem:s17+$0x200] =	vst v17  }
0x140: {  	v17 =	vld.idx.msk [tilespmem:v60+s8+$0x0], $0xffff;
	[tilespmem:s22+$0x200] =	vst v13  }
0x141: {  	v61 =	vadd.s32 $0x1776, v0;
	[tilespmem:s21+$0x200] =	vst v12;
	v8 =	vld.idx.msk [tilespmem:v8+s8+$0x0], $0xffff  }
0x142: {  	v9 =	vld.idx.msk [tilespmem:v9+s8+$0x0], $0xffff;
	[tilespmem:s20+$0x200] =	vst v11  }
0x143: {  	v10 =	vld.idx.msk [tilespmem:v10+s8+$0x0], $0xffff;
	_ =	sdelay $0x1  }
0x144: {  	[tilespmem:s17+$0x280] =	vst v17  }
0x145: {  	v62 =	vld.idx.msk [tilespmem:v61+s8+$0x0], $0xffff;
	[tilespmem:s22+$0x280] =	vst v8  }
0x146: {  	v63 =	vadd.s32 $0x1B5F, v0;
	v5 =	vld.idx.msk [tilespmem:v5+s8+$0x0], $0xffff;
	[tilespmem:s21+$0x280] =	vst v9  }
0x147: {  	v7 =	vld.idx.msk [tilespmem:v7+s8+$0x0], $0xffff;
	[tilespmem:s20+$0x280] =	vst v10  }
0x148: {  	[tilespmem:s16+$0x380] =	vst v15;
	v6 =	vld.idx.msk [tilespmem:v6+s8+$0x0], $0xffff  }
0x149: {  	[tilespmem:s13+$0x380] =	vst v14  }
0x14a: {  	v1 =	vld.idx.msk [tilespmem:v1+s8+$0x0], $0xffff;
	[tilespmem:s17+$0x300] =	vst v62  }
0x14b: {  	v0 =	vld.idx.msk [tilespmem:v63+s8+$0x0], $0xffff;
	[tilespmem:s22+$0x300] =	vst v5  }
0x14c: {  	v3 =	vld.idx.msk [tilespmem:v3+s8+$0x0], $0xffff;
	[tilespmem:s21+$0x300] =	vst v7  }
0x14d: {  	v4 =	vld.idx.msk [tilespmem:v4+s8+$0x0], $0xffff;
	[tilespmem:s20+$0x300] =	vst v6  }
0x14e: {  	[tilespmem:s15+$0x380] =	vst v16;
	v2 =	vld.idx.msk [tilespmem:v2+s8+$0x0], $0xffff  }
0x14f: {  	[tilespmem:s14+$0x380] =	vst v1  }
0x150: {  	[tilespmem:s17+$0x380] =	vst v0  }
0x151: {  	[tilespmem:s22+$0x380] =	vst v3  }
0x152: {  	[tilespmem:s21+$0x380] =	vst v4  }
0x153: {  	s12 =	sadd.s32 $0x1, s12;
	[tilespmem:s20+$0x380] =	vst v2  }
0x154: {  	[hbm4b:s6+s2] =	stream.linear.scatter [tilespmem:s11], [sflag:$0x1], $0x4000, $0x38;
	[tilespmem:$0xAF80] =	vst v63  }
0x155: {  	p0 =	sne.s32 s12, s7;
	_ =	swait.ge [sflag:s9], $0x4000  }
.Ltmp2:
0x156: {  	[sflag:s9] =	ssyncset.done $0x0;
	(pc) =	sbr.rel @p0 .LBB2_1-.Ltmp2, $4  }
0x157: {  	[sflag:s9] =	ssyncadd.s32 $0xFFFFC000  }
0x158: {  	_ =	swait.ge [sflag:s9], $0x4000  }
0x159: {  	[sflag:s9] =	ssyncset.done $0x0  }
0x15a: {  	[sflag:s9] =	ssyncadd.s32 $0xFFFFC000  }
0x15b: {  	_ =	sfence.sel $0x180000  }
0x15c: {  	[bflag:$0x0] =	sbarrier.arrive $0xFFFF  }
0x15d: {  	p0 =	sne.s32 s1, $0x0;
	_ =	strace $0x90000047  }
0x15e: {  	s0 =	sadd.s32 @!p0 $0x100000, s0;
	[bflag:$0x2] =	sbarrier.arrive $0xFFFF  }
0x15f: {  	[sflag:s0] =	ssyncadd.tile.s32 @!p0 $0x1;
	_ =	shalt  }
.Lfunc_end2:
_tile_overlayer_lowered:
.L_overlay_start_2:
0x160: {  	(tag) =	ssettag $0x2  }
0x161: {  	s0 =	rddreg [dreg:$0x0];
	s2 =	stileid.u32  }
0x162: {  	s1 =	rddreg [dreg:$0x1];
	p0 =	sne.s32 s2, $0x0  }
0x163: {  	s3 =	rddreg [dreg:$0x2];
	[bflag:$0x3] =	sbarrier.arrive $0xFFFF;
	s2 =	simm.s32 @!p0 $0x1C02  }
0x164: {  	[timem:s3], [sflag:s2] =	dma.local @!p0 [hbm:s0], s1  }
0x165: {  	s0 =	simm.s32 @!p0 $0x2  }
0x166: {  	_ =	swait.ge @!p0 [sflag:s0], s1  }
0x167: {  	s1 =	ssub.s32 @!p0 $0x0, s1;
	[sflag:s0] =	ssyncset.done @!p0 $0x0  }
0x168: {  	[sflag:s0] =	ssyncadd.s32 @!p0 s1  }
0x169: {  	[bflag:$0x3] =	sbarrier.arrive $0xFFFF  }
0x16a: {  	_ =	shalt  }

</sc_bundles>
